<compile_context>
chip_gen: v7x
topology: tpu7x:2x2x1
jax: 0.10.2.dev20260603
libtpu: 0.0.44.dev20260713+nightly
codegen_flags: <defaults>
</compile_context>

<pallas_src>
import functools

import jax
import jax.numpy as jnp
from jax import lax
from jax.experimental import pallas as pl
from jax.experimental.pallas import tpu as pltpu
from jax.experimental.pallas import tpu_sc as plsc

D_MODEL = 768
B_TOTAL = 4 * 2048
NC, NS = 2, 16
NW = NC * NS
B_PER_W = B_TOTAL // NW
BATCH = 4
SEQ = 2048
CHUNK = 32
NCHUNK = B_PER_W // CHUNK
NBUF = 5
GAHEAD = 5

_mesh = plsc.VectorSubcoreMesh(core_axis_name="c", subcore_axis_name="s")


@functools.partial(
    pl.kernel,
    mesh=_mesh,
    out_type=jax.ShapeDtypeStruct((BATCH, SEQ, D_MODEL), jnp.float32),
    scratch_types=(
        [pltpu.VMEM((B_PER_W,), jnp.int32)]
        + [pltpu.VMEM((CHUNK, D_MODEL), jnp.float32)] * NBUF
        + [pltpu.SemaphoreType.DMA] * (2 * NBUF)
    ),
)
def _embed_sc(idx_hbm, table_hbm, out_hbm, idx_v, *bufs_and_sems):
    bufs = bufs_and_sems[:NBUF]
    gsems = bufs_and_sems[NBUF:2 * NBUF]
    ssems = bufs_and_sems[2 * NBUF:]
    wid = lax.axis_index("s") * NC + lax.axis_index("c")
    base = wid * B_PER_W
    b_row = base // SEQ
    s_off = base % SEQ
    head = 128
    pltpu.sync_copy(
        idx_hbm.at[b_row, pl.ds(s_off, head)], idx_v.at[pl.ds(0, head)]
    )

    def gather(g):
        return pltpu.async_copy(
            table_hbm.at[idx_v.at[pl.ds(g * CHUNK, CHUNK)]],
            bufs[g % NBUF],
            gsems[g % NBUF],
        )

    def store(g):
        return pltpu.async_copy(
            bufs[g % NBUF],
            out_hbm.at[b_row, pl.ds(s_off + g * CHUNK, CHUNK)],
            ssems[g % NBUF],
        )

    gw = [None] * NCHUNK
    sw = [None] * NCHUNK
    drained = set()
    for g in range(head // CHUNK):
        gw[g] = gather(g)
    pltpu.sync_copy(
        idx_hbm.at[b_row, pl.ds(s_off + head, B_PER_W - head)],
        idx_v.at[pl.ds(head, B_PER_W - head)],
    )
    for g in range(head // CHUNK, GAHEAD):
        gw[g] = gather(g)
    for g in range(NCHUNK):
        gw[g].wait()
        sw[g] = store(g)
        nxt = g + GAHEAD
        if nxt < NCHUNK:
            old = nxt - NBUF
            if old >= 0:
                sw[old].wait()
                drained.add(old)
            gw[nxt] = gather(nxt)
    for g in range(NCHUNK):
        if g not in drained:
            sw[g].wait()


def kernel(tokens, W_E):
    return _embed_sc(tokens.astype(jnp.int32), W_E)

# --- scband reference (transcript-rebuilt; emitter-appended) ---
"""Pipeline reference for scband-embed-11287174054601 (READ-ONLY COPY).

The authoritative reference and input builder live on the scoring server;
editing this copy changes nothing except your own understanding.
"""

import jax, jax.numpy as jnp
import numpy as np

D_VOCAB = 50257
D_MODEL = 768
BATCH = 4
SEQ = 2048

def setup_inputs(seed: int = 0) -> dict:
    key = jax.random.key(seed)
    k_tok, k_w = jax.random.split(key)
    tokens = jax.random.randint(k_tok, (BATCH, SEQ), 0, D_VOCAB, dtype=jnp.int64 if jax.config.jax_enable_x64 else jnp.int32)
    W_E = jax.random.normal(k_w, (D_VOCAB, D_MODEL), dtype=jnp.float32) * 0.02
    return {"tokens": tokens, "W_E": W_E}

def reference(tokens, W_E):
    # embed = W_E[tokens, :]  -- gather rows of embedding table
    embed = jnp.take(W_E, tokens, axis=0)
    return embed

if __name__ == "__main__":
    import jax
    _d = setup_inputs()
    print(jax.jit(kernel)(*tuple(_d.values())))

</pallas_src>

<mosaic_0001>
#map = affine_map<(d0, d1) -> (0, 0)>
#map1 = affine_map<(d0, d1) -> (0, 0, 0)>
module attributes {stable_mosaic.version = 14 : i64} {
  func.func @_embed_sc(%arg0: i32, %arg1: i32, %arg2: memref<4x2048xi32, #tpu.memory_space<hbm>>, %arg3: memref<50257x768xf32, #tpu.memory_space<hbm>>, %arg4: memref<4x2048x768xf32, #tpu.memory_space<hbm>>, %arg5: memref<256xi32, #tpu.memory_space<vmem>>, %arg6: memref<32x768xf32, #tpu.memory_space<vmem>>, %arg7: memref<32x768xf32, #tpu.memory_space<vmem>>, %arg8: memref<32x768xf32, #tpu.memory_space<vmem>>, %arg9: memref<32x768xf32, #tpu.memory_space<vmem>>, %arg10: memref<32x768xf32, #tpu.memory_space<vmem>>, %arg11: memref<!tpu.dma_semaphore, #tpu.memory_space<semaphore_mem>>, %arg12: memref<!tpu.dma_semaphore, #tpu.memory_space<semaphore_mem>>, %arg13: memref<!tpu.dma_semaphore, #tpu.memory_space<semaphore_mem>>, %arg14: memref<!tpu.dma_semaphore, #tpu.memory_space<semaphore_mem>>, %arg15: memref<!tpu.dma_semaphore, #tpu.memory_space<semaphore_mem>>, %arg16: memref<!tpu.dma_semaphore, #tpu.memory_space<semaphore_mem>>, %arg17: memref<!tpu.dma_semaphore, #tpu.memory_space<semaphore_mem>>, %arg18: memref<!tpu.dma_semaphore, #tpu.memory_space<semaphore_mem>>, %arg19: memref<!tpu.dma_semaphore, #tpu.memory_space<semaphore_mem>>, %arg20: memref<!tpu.dma_semaphore, #tpu.memory_space<semaphore_mem>>) attributes {dimension_semantics = [#tpu.dimension_semantics<core_parallel>, #tpu.dimension_semantics<subcore_parallel>], iteration_bounds = array<i64: 2, 16>, scalar_prefetch = 0 : i64, scratch_operands = 16 : i64, tpu.core_type = #tpu.core_type<sc_vector_subcore>, window_params = [{transform_indices = #map}, {transform_indices = #map}, {transform_indices = #map1}]} {
    %mul3A = arith.constant 2 : i32
    %mul3A_0 = arith.muli %arg1, %mul3A : i32
    %add3A = arith.addi %mul3A_0, %arg0 : i32
    %mul3A_1 = arith.constant 256 : i32
    %mul3A_2 = arith.muli %add3A, %mul3A_1 : i32
    %jit3A = arith.constant 2048 : i32
    %div3A = arith.divsi %mul3A_2, %jit3A : i32
    %sign3A = arith.constant 0 : i32
    %sign3A_3 = arith.cmpi sgt, %mul3A_2, %sign3A : i32
    %sign3A_4 = arith.extui %sign3A_3 : i1 to i32
    %sign3A_5 = arith.constant 0 : i32
    %sign3A_6 = arith.cmpi slt, %mul3A_2, %sign3A_5 : i32
    %sign3A_7 = arith.extui %sign3A_6 : i1 to i32
    %sign3A_8 = arith.subi %sign3A_4, %sign3A_7 : i32
    %sign3A_9 = arith.constant 0 : i32
    %sign3A_10 = arith.cmpi sgt, %jit3A, %sign3A_9 : i32
    %sign3A_11 = arith.extui %sign3A_10 : i1 to i32
    %sign3A_12 = arith.constant 0 : i32
    %sign3A_13 = arith.cmpi slt, %jit3A, %sign3A_12 : i32
    %sign3A_14 = arith.extui %sign3A_13 : i1 to i32
    %sign3A_15 = arith.subi %sign3A_11, %sign3A_14 : i32
    %ne3A = arith.cmpi ne, %sign3A_8, %sign3A_15 : i32
    %rem3A = arith.remsi %mul3A_2, %jit3A : i32
    %ne3A_16 = arith.constant 0 : i32
    %ne3A_17 = arith.cmpi ne, %rem3A, %ne3A_16 : i32
    %and3A = arith.andi %ne3A, %ne3A_17 : i1
    %sub3A = arith.constant 1 : i32
    %sub3A_18 = arith.subi %div3A, %sub3A : i32
    %select_n3A = arith.select %and3A, %sub3A_18, %div3A : i32
    %jit3A_19 = arith.constant 2048 : i32
    %eq3A = arith.constant 0 : i32
    %eq3A_20 = arith.cmpi eq, %jit3A_19, %eq3A : i32
    %jit3A_21 = arith.constant 1 : i32
    %select_n3A_22 = arith.select %eq3A_20, %jit3A_21, %jit3A_19 : i32
    %rem3A_23 = arith.remsi %mul3A_2, %select_n3A_22 : i32
    %ne3A_24 = arith.constant 0 : i32
    %ne3A_25 = arith.cmpi ne, %rem3A_23, %ne3A_24 : i32
    %lt3A = arith.constant 0 : i32
    %lt3A_26 = arith.cmpi slt, %rem3A_23, %lt3A : i32
    %lt3A_27 = arith.constant 0 : i32
    %lt3A_28 = arith.cmpi slt, %select_n3A_22, %lt3A_27 : i32
    %ne3A_29 = arith.xori %lt3A_26, %lt3A_28 : i1
    %and3A_30 = arith.andi %ne3A_29, %ne3A_25 : i1
    %add3A_31 = arith.addi %rem3A_23, %select_n3A_22 : i32
    %select_n3A_32 = arith.select %and3A_30, %add3A_31, %rem3A_23 : i32
    "tpu.region"() ({
      %run_scoped3A = tpu.sem_alloc : memref<!tpu.dma_semaphore, #tpu.memory_space<semaphore_mem>>
      %dma_start3A_225 = arith.constant 0 : i32
      %dma_start3A_226 = tpu.memref_slice %arg5[%dma_start3A_225] : memref<256xi32, #tpu.memory_space<vmem>> -> memref<128xi32, #tpu.memory_space<vmem>>
      %dma_start3A_227 = tpu.memref_slice %arg2[%select_n3A, %select_n3A_32] : memref<4x2048xi32, #tpu.memory_space<hbm>> -> memref<1x128xi32, #tpu.memory_space<hbm>>
      %dma_start3A_228 = tpu.memref_squeeze %dma_start3A_227 : memref<1x128xi32, #tpu.memory_space<hbm>> -> memref<128xi32, #tpu.memory_space<hbm>>
      %dma_start3A_229 = arith.constant 0 : i32
      %dma_start3A_230 = tpu.memref_slice %arg5[%dma_start3A_229] : memref<256xi32, #tpu.memory_space<vmem>> -> memref<128xi32, #tpu.memory_space<vmem>>
      %dma_start3A_231 = tpu.memref_slice %arg2[%select_n3A, %select_n3A_32] : memref<4x2048xi32, #tpu.memory_space<hbm>> -> memref<1x128xi32, #tpu.memory_space<hbm>>
      %dma_start3A_232 = tpu.memref_squeeze %dma_start3A_231 : memref<1x128xi32, #tpu.memory_space<hbm>> -> memref<128xi32, #tpu.memory_space<hbm>>
      tpu.enqueue_dma source(%dma_start3A_232 : memref<128xi32, #tpu.memory_space<hbm>>) target(%dma_start3A_230 : memref<128xi32, #tpu.memory_space<vmem>>) target_semaphore(%run_scoped3A : memref<!tpu.dma_semaphore, #tpu.memory_space<semaphore_mem>>)
      %dma_wait3A_233 = arith.constant 0 : i32
      %dma_wait3A_234 = tpu.memref_slice %arg5[%dma_wait3A_233] : memref<256xi32, #tpu.memory_space<vmem>> -> memref<128xi32, #tpu.memory_space<vmem>>
      %dma_wait3A_235 = tpu.memref_slice %arg2[%select_n3A, %select_n3A_32] : memref<4x2048xi32, #tpu.memory_space<hbm>> -> memref<1x128xi32, #tpu.memory_space<hbm>>
      %dma_wait3A_236 = tpu.memref_squeeze %dma_wait3A_235 : memref<1x128xi32, #tpu.memory_space<hbm>> -> memref<128xi32, #tpu.memory_space<hbm>>
      %dma_wait3A_237 = arith.constant 0 : i32
      %dma_wait3A_238 = tpu.memref_slice %arg5[%dma_wait3A_237] : memref<256xi32, #tpu.memory_space<vmem>> -> memref<128xi32, #tpu.memory_space<vmem>>
      %dma_wait3A_239 = tpu.memref_slice %arg2[%select_n3A, %select_n3A_32] : memref<4x2048xi32, #tpu.memory_space<hbm>> -> memref<1x128xi32, #tpu.memory_space<hbm>>
      %dma_wait3A_240 = tpu.memref_squeeze %dma_wait3A_239 : memref<1x128xi32, #tpu.memory_space<hbm>> -> memref<128xi32, #tpu.memory_space<hbm>>
      tpu.wait_dma2 semaphore(%run_scoped3A : memref<!tpu.dma_semaphore, #tpu.memory_space<semaphore_mem>>) src(%dma_wait3A_240 : memref<128xi32, #tpu.memory_space<hbm>>) dst(%dma_wait3A_238 : memref<128xi32, #tpu.memory_space<vmem>>)
      tpu.yield
    }) : () -> ()
    %dma_start3A = arith.constant 0 : i32
    %dma_start3A_33 = tpu.memref_slice %arg5[%dma_start3A] : memref<256xi32, #tpu.memory_space<vmem>> -> memref<32xi32, #tpu.memory_space<vmem>>
    %dma_start3A_34 = arith.constant 0 : i32
    %dma_start3A_35 = arith.constant 0 : i32
    %dma_start3A_36 = tpu.memref_slice %arg3[%dma_start3A_34, %dma_start3A_35] : memref<50257x768xf32, #tpu.memory_space<hbm>> -> memref<50257x768xf32, #tpu.memory_space<hbm>>
    tpu.enqueue_indirect_dma source(%dma_start3A_36 : memref<50257x768xf32, #tpu.memory_space<hbm>>) target(%arg6 : memref<32x768xf32, #tpu.memory_space<vmem>>) offsets(%dma_start3A_33 : memref<32xi32, #tpu.memory_space<vmem>>) semaphore(%arg11 : memref<!tpu.dma_semaphore, #tpu.memory_space<semaphore_mem>>)
    %dma_start3A_37 = arith.constant 32 : i32
    %dma_start3A_38 = tpu.memref_slice %arg5[%dma_start3A_37] : memref<256xi32, #tpu.memory_space<vmem>> -> memref<32xi32, #tpu.memory_space<vmem>>
    %dma_start3A_39 = arith.constant 0 : i32
    %dma_start3A_40 = arith.constant 0 : i32
    %dma_start3A_41 = tpu.memref_slice %arg3[%dma_start3A_39, %dma_start3A_40] : memref<50257x768xf32, #tpu.memory_space<hbm>> -> memref<50257x768xf32, #tpu.memory_space<hbm>>
    tpu.enqueue_indirect_dma source(%dma_start3A_41 : memref<50257x768xf32, #tpu.memory_space<hbm>>) target(%arg7 : memref<32x768xf32, #tpu.memory_space<vmem>>) offsets(%dma_start3A_38 : memref<32xi32, #tpu.memory_space<vmem>>) semaphore(%arg12 : memref<!tpu.dma_semaphore, #tpu.memory_space<semaphore_mem>>)
    %dma_start3A_42 = arith.constant 64 : i32
    %dma_start3A_43 = tpu.memref_slice %arg5[%dma_start3A_42] : memref<256xi32, #tpu.memory_space<vmem>> -> memref<32xi32, #tpu.memory_space<vmem>>
    %dma_start3A_44 = arith.constant 0 : i32
    %dma_start3A_45 = arith.constant 0 : i32
    %dma_start3A_46 = tpu.memref_slice %arg3[%dma_start3A_44, %dma_start3A_45] : memref<50257x768xf32, #tpu.memory_space<hbm>> -> memref<50257x768xf32, #tpu.memory_space<hbm>>
    tpu.enqueue_indirect_dma source(%dma_start3A_46 : memref<50257x768xf32, #tpu.memory_space<hbm>>) target(%arg8 : memref<32x768xf32, #tpu.memory_space<vmem>>) offsets(%dma_start3A_43 : memref<32xi32, #tpu.memory_space<vmem>>) semaphore(%arg13 : memref<!tpu.dma_semaphore, #tpu.memory_space<semaphore_mem>>)
    %dma_start3A_47 = arith.constant 96 : i32
    %dma_start3A_48 = tpu.memref_slice %arg5[%dma_start3A_47] : memref<256xi32, #tpu.memory_space<vmem>> -> memref<32xi32, #tpu.memory_space<vmem>>
    %dma_start3A_49 = arith.constant 0 : i32
    %dma_start3A_50 = arith.constant 0 : i32
    %dma_start3A_51 = tpu.memref_slice %arg3[%dma_start3A_49, %dma_start3A_50] : memref<50257x768xf32, #tpu.memory_space<hbm>> -> memref<50257x768xf32, #tpu.memory_space<hbm>>
    tpu.enqueue_indirect_dma source(%dma_start3A_51 : memref<50257x768xf32, #tpu.memory_space<hbm>>) target(%arg9 : memref<32x768xf32, #tpu.memory_space<vmem>>) offsets(%dma_start3A_48 : memref<32xi32, #tpu.memory_space<vmem>>) semaphore(%arg14 : memref<!tpu.dma_semaphore, #tpu.memory_space<semaphore_mem>>)
    %add3A_52 = arith.constant 128 : i32
    %add3A_53 = arith.addi %select_n3A_32, %add3A_52 : i32
    "tpu.region"() ({
      %run_scoped3A = tpu.sem_alloc : memref<!tpu.dma_semaphore, #tpu.memory_space<semaphore_mem>>
      %dma_start3A_225 = arith.constant 128 : i32
      %dma_start3A_226 = tpu.memref_slice %arg5[%dma_start3A_225] : memref<256xi32, #tpu.memory_space<vmem>> -> memref<128xi32, #tpu.memory_space<vmem>>
      %dma_start3A_227 = tpu.memref_slice %arg2[%select_n3A, %add3A_53] : memref<4x2048xi32, #tpu.memory_space<hbm>> -> memref<1x128xi32, #tpu.memory_space<hbm>>
      %dma_start3A_228 = tpu.memref_squeeze %dma_start3A_227 : memref<1x128xi32, #tpu.memory_space<hbm>> -> memref<128xi32, #tpu.memory_space<hbm>>
      %dma_start3A_229 = arith.constant 128 : i32
      %dma_start3A_230 = tpu.memref_slice %arg5[%dma_start3A_229] : memref<256xi32, #tpu.memory_space<vmem>> -> memref<128xi32, #tpu.memory_space<vmem>>
      %dma_start3A_231 = tpu.memref_slice %arg2[%select_n3A, %add3A_53] : memref<4x2048xi32, #tpu.memory_space<hbm>> -> memref<1x128xi32, #tpu.memory_space<hbm>>
      %dma_start3A_232 = tpu.memref_squeeze %dma_start3A_231 : memref<1x128xi32, #tpu.memory_space<hbm>> -> memref<128xi32, #tpu.memory_space<hbm>>
      tpu.enqueue_dma source(%dma_start3A_232 : memref<128xi32, #tpu.memory_space<hbm>>) target(%dma_start3A_230 : memref<128xi32, #tpu.memory_space<vmem>>) target_semaphore(%run_scoped3A : memref<!tpu.dma_semaphore, #tpu.memory_space<semaphore_mem>>)
      %dma_wait3A_233 = arith.constant 128 : i32
      %dma_wait3A_234 = tpu.memref_slice %arg5[%dma_wait3A_233] : memref<256xi32, #tpu.memory_space<vmem>> -> memref<128xi32, #tpu.memory_space<vmem>>
      %dma_wait3A_235 = tpu.memref_slice %arg2[%select_n3A, %add3A_53] : memref<4x2048xi32, #tpu.memory_space<hbm>> -> memref<1x128xi32, #tpu.memory_space<hbm>>
      %dma_wait3A_236 = tpu.memref_squeeze %dma_wait3A_235 : memref<1x128xi32, #tpu.memory_space<hbm>> -> memref<128xi32, #tpu.memory_space<hbm>>
      %dma_wait3A_237 = arith.constant 128 : i32
      %dma_wait3A_238 = tpu.memref_slice %arg5[%dma_wait3A_237] : memref<256xi32, #tpu.memory_space<vmem>> -> memref<128xi32, #tpu.memory_space<vmem>>
      %dma_wait3A_239 = tpu.memref_slice %arg2[%select_n3A, %add3A_53] : memref<4x2048xi32, #tpu.memory_space<hbm>> -> memref<1x128xi32, #tpu.memory_space<hbm>>
      %dma_wait3A_240 = tpu.memref_squeeze %dma_wait3A_239 : memref<1x128xi32, #tpu.memory_space<hbm>> -> memref<128xi32, #tpu.memory_space<hbm>>
      tpu.wait_dma2 semaphore(%run_scoped3A : memref<!tpu.dma_semaphore, #tpu.memory_space<semaphore_mem>>) src(%dma_wait3A_240 : memref<128xi32, #tpu.memory_space<hbm>>) dst(%dma_wait3A_238 : memref<128xi32, #tpu.memory_space<vmem>>)
      tpu.yield
    }) : () -> ()
    %dma_start3A_54 = arith.constant 128 : i32
    %dma_start3A_55 = tpu.memref_slice %arg5[%dma_start3A_54] : memref<256xi32, #tpu.memory_space<vmem>> -> memref<32xi32, #tpu.memory_space<vmem>>
    %dma_start3A_56 = arith.constant 0 : i32
    %dma_start3A_57 = arith.constant 0 : i32
    %dma_start3A_58 = tpu.memref_slice %arg3[%dma_start3A_56, %dma_start3A_57] : memref<50257x768xf32, #tpu.memory_space<hbm>> -> memref<50257x768xf32, #tpu.memory_space<hbm>>
    tpu.enqueue_indirect_dma source(%dma_start3A_58 : memref<50257x768xf32, #tpu.memory_space<hbm>>) target(%arg10 : memref<32x768xf32, #tpu.memory_space<vmem>>) offsets(%dma_start3A_55 : memref<32xi32, #tpu.memory_space<vmem>>) semaphore(%arg15 : memref<!tpu.dma_semaphore, #tpu.memory_space<semaphore_mem>>)
    %dma_wait3A = arith.constant 0 : i32
    %dma_wait3A_59 = tpu.memref_slice %arg5[%dma_wait3A] : memref<256xi32, #tpu.memory_space<vmem>> -> memref<32xi32, #tpu.memory_space<vmem>>
    %dma_wait3A_60 = arith.constant 0 : i32
    %dma_wait3A_61 = arith.constant 0 : i32
    %dma_wait3A_62 = tpu.memref_slice %arg3[%dma_wait3A_60, %dma_wait3A_61] : memref<50257x768xf32, #tpu.memory_space<hbm>> -> memref<50257x768xf32, #tpu.memory_space<hbm>>
    tpu.wait_indirect_dma semaphore(%arg11 : memref<!tpu.dma_semaphore, #tpu.memory_space<semaphore_mem>>) src(%dma_wait3A_62 : memref<50257x768xf32, #tpu.memory_space<hbm>>) dst(%arg6 : memref<32x768xf32, #tpu.memory_space<vmem>>)
    %add3A_63 = arith.constant 0 : i32
    %add3A_64 = arith.addi %select_n3A_32, %add3A_63 : i32
    %dma_start3A_65 = arith.constant 0 : i32
    %dma_start3A_66 = tpu.memref_slice %arg4[%select_n3A, %add3A_64, %dma_start3A_65] : memref<4x2048x768xf32, #tpu.memory_space<hbm>> -> memref<1x32x768xf32, #tpu.memory_space<hbm>>
    %dma_start3A_67 = tpu.memref_squeeze %dma_start3A_66 : memref<1x32x768xf32, #tpu.memory_space<hbm>> -> memref<32x768xf32, #tpu.memory_space<hbm>>
    %dma_start3A_68 = arith.constant 0 : i32
    %dma_start3A_69 = tpu.memref_slice %arg4[%select_n3A, %add3A_64, %dma_start3A_68] : memref<4x2048x768xf32, #tpu.memory_space<hbm>> -> memref<1x32x768xf32, #tpu.memory_space<hbm>>
    %dma_start3A_70 = tpu.memref_squeeze %dma_start3A_69 : memref<1x32x768xf32, #tpu.memory_space<hbm>> -> memref<32x768xf32, #tpu.memory_space<hbm>>
    tpu.enqueue_dma source(%arg6 : memref<32x768xf32, #tpu.memory_space<vmem>>) target(%dma_start3A_70 : memref<32x768xf32, #tpu.memory_space<hbm>>) target_semaphore(%arg16 : memref<!tpu.dma_semaphore, #tpu.memory_space<semaphore_mem>>)
    %dma_wait3A_71 = arith.constant 0 : i32
    %dma_wait3A_72 = tpu.memref_slice %arg4[%select_n3A, %add3A_64, %dma_wait3A_71] : memref<4x2048x768xf32, #tpu.memory_space<hbm>> -> memref<1x32x768xf32, #tpu.memory_space<hbm>>
    %dma_wait3A_73 = tpu.memref_squeeze %dma_wait3A_72 : memref<1x32x768xf32, #tpu.memory_space<hbm>> -> memref<32x768xf32, #tpu.memory_space<hbm>>
    %dma_wait3A_74 = arith.constant 0 : i32
    %dma_wait3A_75 = tpu.memref_slice %arg4[%select_n3A, %add3A_64, %dma_wait3A_74] : memref<4x2048x768xf32, #tpu.memory_space<hbm>> -> memref<1x32x768xf32, #tpu.memory_space<hbm>>
    %dma_wait3A_76 = tpu.memref_squeeze %dma_wait3A_75 : memref<1x32x768xf32, #tpu.memory_space<hbm>> -> memref<32x768xf32, #tpu.memory_space<hbm>>
    tpu.wait_dma2 semaphore(%arg16 : memref<!tpu.dma_semaphore, #tpu.memory_space<semaphore_mem>>) src(%arg6 : memref<32x768xf32, #tpu.memory_space<vmem>>) dst(%dma_wait3A_76 : memref<32x768xf32, #tpu.memory_space<hbm>>)
    %dma_start3A_77 = arith.constant 160 : i32
    %dma_start3A_78 = tpu.memref_slice %arg5[%dma_start3A_77] : memref<256xi32, #tpu.memory_space<vmem>> -> memref<32xi32, #tpu.memory_space<vmem>>
    %dma_start3A_79 = arith.constant 0 : i32
    %dma_start3A_80 = arith.constant 0 : i32
    %dma_start3A_81 = tpu.memref_slice %arg3[%dma_start3A_79, %dma_start3A_80] : memref<50257x768xf32, #tpu.memory_space<hbm>> -> memref<50257x768xf32, #tpu.memory_space<hbm>>
    tpu.enqueue_indirect_dma source(%dma_start3A_81 : memref<50257x768xf32, #tpu.memory_space<hbm>>) target(%arg6 : memref<32x768xf32, #tpu.memory_space<vmem>>) offsets(%dma_start3A_78 : memref<32xi32, #tpu.memory_space<vmem>>) semaphore(%arg11 : memref<!tpu.dma_semaphore, #tpu.memory_space<semaphore_mem>>)
    %dma_wait3A_82 = arith.constant 32 : i32
    %dma_wait3A_83 = tpu.memref_slice %arg5[%dma_wait3A_82] : memref<256xi32, #tpu.memory_space<vmem>> -> memref<32xi32, #tpu.memory_space<vmem>>
    %dma_wait3A_84 = arith.constant 0 : i32
    %dma_wait3A_85 = arith.constant 0 : i32
    %dma_wait3A_86 = tpu.memref_slice %arg3[%dma_wait3A_84, %dma_wait3A_85] : memref<50257x768xf32, #tpu.memory_space<hbm>> -> memref<50257x768xf32, #tpu.memory_space<hbm>>
    tpu.wait_indirect_dma semaphore(%arg12 : memref<!tpu.dma_semaphore, #tpu.memory_space<semaphore_mem>>) src(%dma_wait3A_86 : memref<50257x768xf32, #tpu.memory_space<hbm>>) dst(%arg7 : memref<32x768xf32, #tpu.memory_space<vmem>>)
    %add3A_87 = arith.constant 32 : i32
    %add3A_88 = arith.addi %select_n3A_32, %add3A_87 : i32
    %dma_start3A_89 = arith.constant 0 : i32
    %dma_start3A_90 = tpu.memref_slice %arg4[%select_n3A, %add3A_88, %dma_start3A_89] : memref<4x2048x768xf32, #tpu.memory_space<hbm>> -> memref<1x32x768xf32, #tpu.memory_space<hbm>>
    %dma_start3A_91 = tpu.memref_squeeze %dma_start3A_90 : memref<1x32x768xf32, #tpu.memory_space<hbm>> -> memref<32x768xf32, #tpu.memory_space<hbm>>
    %dma_start3A_92 = arith.constant 0 : i32
    %dma_start3A_93 = tpu.memref_slice %arg4[%select_n3A, %add3A_88, %dma_start3A_92] : memref<4x2048x768xf32, #tpu.memory_space<hbm>> -> memref<1x32x768xf32, #tpu.memory_space<hbm>>
    %dma_start3A_94 = tpu.memref_squeeze %dma_start3A_93 : memref<1x32x768xf32, #tpu.memory_space<hbm>> -> memref<32x768xf32, #tpu.memory_space<hbm>>
    tpu.enqueue_dma source(%arg7 : memref<32x768xf32, #tpu.memory_space<vmem>>) target(%dma_start3A_94 : memref<32x768xf32, #tpu.memory_space<hbm>>) target_semaphore(%arg17 : memref<!tpu.dma_semaphore, #tpu.memory_space<semaphore_mem>>)
    %dma_wait3A_95 = arith.constant 0 : i32
    %dma_wait3A_96 = tpu.memref_slice %arg4[%select_n3A, %add3A_88, %dma_wait3A_95] : memref<4x2048x768xf32, #tpu.memory_space<hbm>> -> memref<1x32x768xf32, #tpu.memory_space<hbm>>
    %dma_wait3A_97 = tpu.memref_squeeze %dma_wait3A_96 : memref<1x32x768xf32, #tpu.memory_space<hbm>> -> memref<32x768xf32, #tpu.memory_space<hbm>>
    %dma_wait3A_98 = arith.constant 0 : i32
    %dma_wait3A_99 = tpu.memref_slice %arg4[%select_n3A, %add3A_88, %dma_wait3A_98] : memref<4x2048x768xf32, #tpu.memory_space<hbm>> -> memref<1x32x768xf32, #tpu.memory_space<hbm>>
    %dma_wait3A_100 = tpu.memref_squeeze %dma_wait3A_99 : memref<1x32x768xf32, #tpu.memory_space<hbm>> -> memref<32x768xf32, #tpu.memory_space<hbm>>
    tpu.wait_dma2 semaphore(%arg17 : memref<!tpu.dma_semaphore, #tpu.memory_space<semaphore_mem>>) src(%arg7 : memref<32x768xf32, #tpu.memory_space<vmem>>) dst(%dma_wait3A_100 : memref<32x768xf32, #tpu.memory_space<hbm>>)
    %dma_start3A_101 = arith.constant 192 : i32
    %dma_start3A_102 = tpu.memref_slice %arg5[%dma_start3A_101] : memref<256xi32, #tpu.memory_space<vmem>> -> memref<32xi32, #tpu.memory_space<vmem>>
    %dma_start3A_103 = arith.constant 0 : i32
    %dma_start3A_104 = arith.constant 0 : i32
    %dma_start3A_105 = tpu.memref_slice %arg3[%dma_start3A_103, %dma_start3A_104] : memref<50257x768xf32, #tpu.memory_space<hbm>> -> memref<50257x768xf32, #tpu.memory_space<hbm>>
    tpu.enqueue_indirect_dma source(%dma_start3A_105 : memref<50257x768xf32, #tpu.memory_space<hbm>>) target(%arg7 : memref<32x768xf32, #tpu.memory_space<vmem>>) offsets(%dma_start3A_102 : memref<32xi32, #tpu.memory_space<vmem>>) semaphore(%arg12 : memref<!tpu.dma_semaphore, #tpu.memory_space<semaphore_mem>>)
    %dma_wait3A_106 = arith.constant 64 : i32
    %dma_wait3A_107 = tpu.memref_slice %arg5[%dma_wait3A_106] : memref<256xi32, #tpu.memory_space<vmem>> -> memref<32xi32, #tpu.memory_space<vmem>>
    %dma_wait3A_108 = arith.constant 0 : i32
    %dma_wait3A_109 = arith.constant 0 : i32
    %dma_wait3A_110 = tpu.memref_slice %arg3[%dma_wait3A_108, %dma_wait3A_109] : memref<50257x768xf32, #tpu.memory_space<hbm>> -> memref<50257x768xf32, #tpu.memory_space<hbm>>
    tpu.wait_indirect_dma semaphore(%arg13 : memref<!tpu.dma_semaphore, #tpu.memory_space<semaphore_mem>>) src(%dma_wait3A_110 : memref<50257x768xf32, #tpu.memory_space<hbm>>) dst(%arg8 : memref<32x768xf32, #tpu.memory_space<vmem>>)
    %add3A_111 = arith.constant 64 : i32
    %add3A_112 = arith.addi %select_n3A_32, %add3A_111 : i32
    %dma_start3A_113 = arith.constant 0 : i32
    %dma_start3A_114 = tpu.memref_slice %arg4[%select_n3A, %add3A_112, %dma_start3A_113] : memref<4x2048x768xf32, #tpu.memory_space<hbm>> -> memref<1x32x768xf32, #tpu.memory_space<hbm>>
    %dma_start3A_115 = tpu.memref_squeeze %dma_start3A_114 : memref<1x32x768xf32, #tpu.memory_space<hbm>> -> memref<32x768xf32, #tpu.memory_space<hbm>>
    %dma_start3A_116 = arith.constant 0 : i32
    %dma_start3A_117 = tpu.memref_slice %arg4[%select_n3A, %add3A_112, %dma_start3A_116] : memref<4x2048x768xf32, #tpu.memory_space<hbm>> -> memref<1x32x768xf32, #tpu.memory_space<hbm>>
    %dma_start3A_118 = tpu.memref_squeeze %dma_start3A_117 : memref<1x32x768xf32, #tpu.memory_space<hbm>> -> memref<32x768xf32, #tpu.memory_space<hbm>>
    tpu.enqueue_dma source(%arg8 : memref<32x768xf32, #tpu.memory_space<vmem>>) target(%dma_start3A_118 : memref<32x768xf32, #tpu.memory_space<hbm>>) target_semaphore(%arg18 : memref<!tpu.dma_semaphore, #tpu.memory_space<semaphore_mem>>)
    %dma_wait3A_119 = arith.constant 0 : i32
    %dma_wait3A_120 = tpu.memref_slice %arg4[%select_n3A, %add3A_112, %dma_wait3A_119] : memref<4x2048x768xf32, #tpu.memory_space<hbm>> -> memref<1x32x768xf32, #tpu.memory_space<hbm>>
    %dma_wait3A_121 = tpu.memref_squeeze %dma_wait3A_120 : memref<1x32x768xf32, #tpu.memory_space<hbm>> -> memref<32x768xf32, #tpu.memory_space<hbm>>
    %dma_wait3A_122 = arith.constant 0 : i32
    %dma_wait3A_123 = tpu.memref_slice %arg4[%select_n3A, %add3A_112, %dma_wait3A_122] : memref<4x2048x768xf32, #tpu.memory_space<hbm>> -> memref<1x32x768xf32, #tpu.memory_space<hbm>>
    %dma_wait3A_124 = tpu.memref_squeeze %dma_wait3A_123 : memref<1x32x768xf32, #tpu.memory_space<hbm>> -> memref<32x768xf32, #tpu.memory_space<hbm>>
    tpu.wait_dma2 semaphore(%arg18 : memref<!tpu.dma_semaphore, #tpu.memory_space<semaphore_mem>>) src(%arg8 : memref<32x768xf32, #tpu.memory_space<vmem>>) dst(%dma_wait3A_124 : memref<32x768xf32, #tpu.memory_space<hbm>>)
    %dma_start3A_125 = arith.constant 224 : i32
    %dma_start3A_126 = tpu.memref_slice %arg5[%dma_start3A_125] : memref<256xi32, #tpu.memory_space<vmem>> -> memref<32xi32, #tpu.memory_space<vmem>>
    %dma_start3A_127 = arith.constant 0 : i32
    %dma_start3A_128 = arith.constant 0 : i32
    %dma_start3A_129 = tpu.memref_slice %arg3[%dma_start3A_127, %dma_start3A_128] : memref<50257x768xf32, #tpu.memory_space<hbm>> -> memref<50257x768xf32, #tpu.memory_space<hbm>>
    tpu.enqueue_indirect_dma source(%dma_start3A_129 : memref<50257x768xf32, #tpu.memory_space<hbm>>) target(%arg8 : memref<32x768xf32, #tpu.memory_space<vmem>>) offsets(%dma_start3A_126 : memref<32xi32, #tpu.memory_space<vmem>>) semaphore(%arg13 : memref<!tpu.dma_semaphore, #tpu.memory_space<semaphore_mem>>)
    %dma_wait3A_130 = arith.constant 96 : i32
    %dma_wait3A_131 = tpu.memref_slice %arg5[%dma_wait3A_130] : memref<256xi32, #tpu.memory_space<vmem>> -> memref<32xi32, #tpu.memory_space<vmem>>
    %dma_wait3A_132 = arith.constant 0 : i32
    %dma_wait3A_133 = arith.constant 0 : i32
    %dma_wait3A_134 = tpu.memref_slice %arg3[%dma_wait3A_132, %dma_wait3A_133] : memref<50257x768xf32, #tpu.memory_space<hbm>> -> memref<50257x768xf32, #tpu.memory_space<hbm>>
    tpu.wait_indirect_dma semaphore(%arg14 : memref<!tpu.dma_semaphore, #tpu.memory_space<semaphore_mem>>) src(%dma_wait3A_134 : memref<50257x768xf32, #tpu.memory_space<hbm>>) dst(%arg9 : memref<32x768xf32, #tpu.memory_space<vmem>>)
    %add3A_135 = arith.constant 96 : i32
    %add3A_136 = arith.addi %select_n3A_32, %add3A_135 : i32
    %dma_start3A_137 = arith.constant 0 : i32
    %dma_start3A_138 = tpu.memref_slice %arg4[%select_n3A, %add3A_136, %dma_start3A_137] : memref<4x2048x768xf32, #tpu.memory_space<hbm>> -> memref<1x32x768xf32, #tpu.memory_space<hbm>>
    %dma_start3A_139 = tpu.memref_squeeze %dma_start3A_138 : memref<1x32x768xf32, #tpu.memory_space<hbm>> -> memref<32x768xf32, #tpu.memory_space<hbm>>
    %dma_start3A_140 = arith.constant 0 : i32
    %dma_start3A_141 = tpu.memref_slice %arg4[%select_n3A, %add3A_136, %dma_start3A_140] : memref<4x2048x768xf32, #tpu.memory_space<hbm>> -> memref<1x32x768xf32, #tpu.memory_space<hbm>>
    %dma_start3A_142 = tpu.memref_squeeze %dma_start3A_141 : memref<1x32x768xf32, #tpu.memory_space<hbm>> -> memref<32x768xf32, #tpu.memory_space<hbm>>
    tpu.enqueue_dma source(%arg9 : memref<32x768xf32, #tpu.memory_space<vmem>>) target(%dma_start3A_142 : memref<32x768xf32, #tpu.memory_space<hbm>>) target_semaphore(%arg19 : memref<!tpu.dma_semaphore, #tpu.memory_space<semaphore_mem>>)
    %dma_wait3A_143 = arith.constant 128 : i32
    %dma_wait3A_144 = tpu.memref_slice %arg5[%dma_wait3A_143] : memref<256xi32, #tpu.memory_space<vmem>> -> memref<32xi32, #tpu.memory_space<vmem>>
    %dma_wait3A_145 = arith.constant 0 : i32
    %dma_wait3A_146 = arith.constant 0 : i32
    %dma_wait3A_147 = tpu.memref_slice %arg3[%dma_wait3A_145, %dma_wait3A_146] : memref<50257x768xf32, #tpu.memory_space<hbm>> -> memref<50257x768xf32, #tpu.memory_space<hbm>>
    tpu.wait_indirect_dma semaphore(%arg15 : memref<!tpu.dma_semaphore, #tpu.memory_space<semaphore_mem>>) src(%dma_wait3A_147 : memref<50257x768xf32, #tpu.memory_space<hbm>>) dst(%arg10 : memref<32x768xf32, #tpu.memory_space<vmem>>)
    %add3A_148 = arith.constant 128 : i32
    %add3A_149 = arith.addi %select_n3A_32, %add3A_148 : i32
    %dma_start3A_150 = arith.constant 0 : i32
    %dma_start3A_151 = tpu.memref_slice %arg4[%select_n3A, %add3A_149, %dma_start3A_150] : memref<4x2048x768xf32, #tpu.memory_space<hbm>> -> memref<1x32x768xf32, #tpu.memory_space<hbm>>
    %dma_start3A_152 = tpu.memref_squeeze %dma_start3A_151 : memref<1x32x768xf32, #tpu.memory_space<hbm>> -> memref<32x768xf32, #tpu.memory_space<hbm>>
    %dma_start3A_153 = arith.constant 0 : i32
    %dma_start3A_154 = tpu.memref_slice %arg4[%select_n3A, %add3A_149, %dma_start3A_153] : memref<4x2048x768xf32, #tpu.memory_space<hbm>> -> memref<1x32x768xf32, #tpu.memory_space<hbm>>
    %dma_start3A_155 = tpu.memref_squeeze %dma_start3A_154 : memref<1x32x768xf32, #tpu.memory_space<hbm>> -> memref<32x768xf32, #tpu.memory_space<hbm>>
    tpu.enqueue_dma source(%arg10 : memref<32x768xf32, #tpu.memory_space<vmem>>) target(%dma_start3A_155 : memref<32x768xf32, #tpu.memory_space<hbm>>) target_semaphore(%arg20 : memref<!tpu.dma_semaphore, #tpu.memory_space<semaphore_mem>>)
    %dma_wait3A_156 = arith.constant 160 : i32
    %dma_wait3A_157 = tpu.memref_slice %arg5[%dma_wait3A_156] : memref<256xi32, #tpu.memory_space<vmem>> -> memref<32xi32, #tpu.memory_space<vmem>>
    %dma_wait3A_158 = arith.constant 0 : i32
    %dma_wait3A_159 = arith.constant 0 : i32
    %dma_wait3A_160 = tpu.memref_slice %arg3[%dma_wait3A_158, %dma_wait3A_159] : memref<50257x768xf32, #tpu.memory_space<hbm>> -> memref<50257x768xf32, #tpu.memory_space<hbm>>
    tpu.wait_indirect_dma semaphore(%arg11 : memref<!tpu.dma_semaphore, #tpu.memory_space<semaphore_mem>>) src(%dma_wait3A_160 : memref<50257x768xf32, #tpu.memory_space<hbm>>) dst(%arg6 : memref<32x768xf32, #tpu.memory_space<vmem>>)
    %add3A_161 = arith.constant 160 : i32
    %add3A_162 = arith.addi %select_n3A_32, %add3A_161 : i32
    %dma_start3A_163 = arith.constant 0 : i32
    %dma_start3A_164 = tpu.memref_slice %arg4[%select_n3A, %add3A_162, %dma_start3A_163] : memref<4x2048x768xf32, #tpu.memory_space<hbm>> -> memref<1x32x768xf32, #tpu.memory_space<hbm>>
    %dma_start3A_165 = tpu.memref_squeeze %dma_start3A_164 : memref<1x32x768xf32, #tpu.memory_space<hbm>> -> memref<32x768xf32, #tpu.memory_space<hbm>>
    %dma_start3A_166 = arith.constant 0 : i32
    %dma_start3A_167 = tpu.memref_slice %arg4[%select_n3A, %add3A_162, %dma_start3A_166] : memref<4x2048x768xf32, #tpu.memory_space<hbm>> -> memref<1x32x768xf32, #tpu.memory_space<hbm>>
    %dma_start3A_168 = tpu.memref_squeeze %dma_start3A_167 : memref<1x32x768xf32, #tpu.memory_space<hbm>> -> memref<32x768xf32, #tpu.memory_space<hbm>>
    tpu.enqueue_dma source(%arg6 : memref<32x768xf32, #tpu.memory_space<vmem>>) target(%dma_start3A_168 : memref<32x768xf32, #tpu.memory_space<hbm>>) target_semaphore(%arg16 : memref<!tpu.dma_semaphore, #tpu.memory_space<semaphore_mem>>)
    %dma_wait3A_169 = arith.constant 192 : i32
    %dma_wait3A_170 = tpu.memref_slice %arg5[%dma_wait3A_169] : memref<256xi32, #tpu.memory_space<vmem>> -> memref<32xi32, #tpu.memory_space<vmem>>
    %dma_wait3A_171 = arith.constant 0 : i32
    %dma_wait3A_172 = arith.constant 0 : i32
    %dma_wait3A_173 = tpu.memref_slice %arg3[%dma_wait3A_171, %dma_wait3A_172] : memref<50257x768xf32, #tpu.memory_space<hbm>> -> memref<50257x768xf32, #tpu.memory_space<hbm>>
    tpu.wait_indirect_dma semaphore(%arg12 : memref<!tpu.dma_semaphore, #tpu.memory_space<semaphore_mem>>) src(%dma_wait3A_173 : memref<50257x768xf32, #tpu.memory_space<hbm>>) dst(%arg7 : memref<32x768xf32, #tpu.memory_space<vmem>>)
    %add3A_174 = arith.constant 192 : i32
    %add3A_175 = arith.addi %select_n3A_32, %add3A_174 : i32
    %dma_start3A_176 = arith.constant 0 : i32
    %dma_start3A_177 = tpu.memref_slice %arg4[%select_n3A, %add3A_175, %dma_start3A_176] : memref<4x2048x768xf32, #tpu.memory_space<hbm>> -> memref<1x32x768xf32, #tpu.memory_space<hbm>>
    %dma_start3A_178 = tpu.memref_squeeze %dma_start3A_177 : memref<1x32x768xf32, #tpu.memory_space<hbm>> -> memref<32x768xf32, #tpu.memory_space<hbm>>
    %dma_start3A_179 = arith.constant 0 : i32
    %dma_start3A_180 = tpu.memref_slice %arg4[%select_n3A, %add3A_175, %dma_start3A_179] : memref<4x2048x768xf32, #tpu.memory_space<hbm>> -> memref<1x32x768xf32, #tpu.memory_space<hbm>>
    %dma_start3A_181 = tpu.memref_squeeze %dma_start3A_180 : memref<1x32x768xf32, #tpu.memory_space<hbm>> -> memref<32x768xf32, #tpu.memory_space<hbm>>
    tpu.enqueue_dma source(%arg7 : memref<32x768xf32, #tpu.memory_space<vmem>>) target(%dma_start3A_181 : memref<32x768xf32, #tpu.memory_space<hbm>>) target_semaphore(%arg17 : memref<!tpu.dma_semaphore, #tpu.memory_space<semaphore_mem>>)
    %dma_wait3A_182 = arith.constant 224 : i32
    %dma_wait3A_183 = tpu.memref_slice %arg5[%dma_wait3A_182] : memref<256xi32, #tpu.memory_space<vmem>> -> memref<32xi32, #tpu.memory_space<vmem>>
    %dma_wait3A_184 = arith.constant 0 : i32
    %dma_wait3A_185 = arith.constant 0 : i32
    %dma_wait3A_186 = tpu.memref_slice %arg3[%dma_wait3A_184, %dma_wait3A_185] : memref<50257x768xf32, #tpu.memory_space<hbm>> -> memref<50257x768xf32, #tpu.memory_space<hbm>>
    tpu.wait_indirect_dma semaphore(%arg13 : memref<!tpu.dma_semaphore, #tpu.memory_space<semaphore_mem>>) src(%dma_wait3A_186 : memref<50257x768xf32, #tpu.memory_space<hbm>>) dst(%arg8 : memref<32x768xf32, #tpu.memory_space<vmem>>)
    %add3A_187 = arith.constant 224 : i32
    %add3A_188 = arith.addi %select_n3A_32, %add3A_187 : i32
    %dma_start3A_189 = arith.constant 0 : i32
    %dma_start3A_190 = tpu.memref_slice %arg4[%select_n3A, %add3A_188, %dma_start3A_189] : memref<4x2048x768xf32, #tpu.memory_space<hbm>> -> memref<1x32x768xf32, #tpu.memory_space<hbm>>
    %dma_start3A_191 = tpu.memref_squeeze %dma_start3A_190 : memref<1x32x768xf32, #tpu.memory_space<hbm>> -> memref<32x768xf32, #tpu.memory_space<hbm>>
    %dma_start3A_192 = arith.constant 0 : i32
    %dma_start3A_193 = tpu.memref_slice %arg4[%select_n3A, %add3A_188, %dma_start3A_192] : memref<4x2048x768xf32, #tpu.memory_space<hbm>> -> memref<1x32x768xf32, #tpu.memory_space<hbm>>
    %dma_start3A_194 = tpu.memref_squeeze %dma_start3A_193 : memref<1x32x768xf32, #tpu.memory_space<hbm>> -> memref<32x768xf32, #tpu.memory_space<hbm>>
    tpu.enqueue_dma source(%arg8 : memref<32x768xf32, #tpu.memory_space<vmem>>) target(%dma_start3A_194 : memref<32x768xf32, #tpu.memory_space<hbm>>) target_semaphore(%arg18 : memref<!tpu.dma_semaphore, #tpu.memory_space<semaphore_mem>>)
    %dma_wait3A_195 = arith.constant 0 : i32
    %dma_wait3A_196 = tpu.memref_slice %arg4[%select_n3A, %add3A_136, %dma_wait3A_195] : memref<4x2048x768xf32, #tpu.memory_space<hbm>> -> memref<1x32x768xf32, #tpu.memory_space<hbm>>
    %dma_wait3A_197 = tpu.memref_squeeze %dma_wait3A_196 : memref<1x32x768xf32, #tpu.memory_space<hbm>> -> memref<32x768xf32, #tpu.memory_space<hbm>>
    %dma_wait3A_198 = arith.constant 0 : i32
    %dma_wait3A_199 = tpu.memref_slice %arg4[%select_n3A, %add3A_136, %dma_wait3A_198] : memref<4x2048x768xf32, #tpu.memory_space<hbm>> -> memref<1x32x768xf32, #tpu.memory_space<hbm>>
    %dma_wait3A_200 = tpu.memref_squeeze %dma_wait3A_199 : memref<1x32x768xf32, #tpu.memory_space<hbm>> -> memref<32x768xf32, #tpu.memory_space<hbm>>
    tpu.wait_dma2 semaphore(%arg19 : memref<!tpu.dma_semaphore, #tpu.memory_space<semaphore_mem>>) src(%arg9 : memref<32x768xf32, #tpu.memory_space<vmem>>) dst(%dma_wait3A_200 : memref<32x768xf32, #tpu.memory_space<hbm>>)
    %dma_wait3A_201 = arith.constant 0 : i32
    %dma_wait3A_202 = tpu.memref_slice %arg4[%select_n3A, %add3A_149, %dma_wait3A_201] : memref<4x2048x768xf32, #tpu.memory_space<hbm>> -> memref<1x32x768xf32, #tpu.memory_space<hbm>>
    %dma_wait3A_203 = tpu.memref_squeeze %dma_wait3A_202 : memref<1x32x768xf32, #tpu.memory_space<hbm>> -> memref<32x768xf32, #tpu.memory_space<hbm>>
    %dma_wait3A_204 = arith.constant 0 : i32
    %dma_wait3A_205 = tpu.memref_slice %arg4[%select_n3A, %add3A_149, %dma_wait3A_204] : memref<4x2048x768xf32, #tpu.memory_space<hbm>> -> memref<1x32x768xf32, #tpu.memory_space<hbm>>
    %dma_wait3A_206 = tpu.memref_squeeze %dma_wait3A_205 : memref<1x32x768xf32, #tpu.memory_space<hbm>> -> memref<32x768xf32, #tpu.memory_space<hbm>>
    tpu.wait_dma2 semaphore(%arg20 : memref<!tpu.dma_semaphore, #tpu.memory_space<semaphore_mem>>) src(%arg10 : memref<32x768xf32, #tpu.memory_space<vmem>>) dst(%dma_wait3A_206 : memref<32x768xf32, #tpu.memory_space<hbm>>)
    %dma_wait3A_207 = arith.constant 0 : i32
    %dma_wait3A_208 = tpu.memref_slice %arg4[%select_n3A, %add3A_162, %dma_wait3A_207] : memref<4x2048x768xf32, #tpu.memory_space<hbm>> -> memref<1x32x768xf32, #tpu.memory_space<hbm>>
    %dma_wait3A_209 = tpu.memref_squeeze %dma_wait3A_208 : memref<1x32x768xf32, #tpu.memory_space<hbm>> -> memref<32x768xf32, #tpu.memory_space<hbm>>
    %dma_wait3A_210 = arith.constant 0 : i32
    %dma_wait3A_211 = tpu.memref_slice %arg4[%select_n3A, %add3A_162, %dma_wait3A_210] : memref<4x2048x768xf32, #tpu.memory_space<hbm>> -> memref<1x32x768xf32, #tpu.memory_space<hbm>>
    %dma_wait3A_212 = tpu.memref_squeeze %dma_wait3A_211 : memref<1x32x768xf32, #tpu.memory_space<hbm>> -> memref<32x768xf32, #tpu.memory_space<hbm>>
    tpu.wait_dma2 semaphore(%arg16 : memref<!tpu.dma_semaphore, #tpu.memory_space<semaphore_mem>>) src(%arg6 : memref<32x768xf32, #tpu.memory_space<vmem>>) dst(%dma_wait3A_212 : memref<32x768xf32, #tpu.memory_space<hbm>>)
    %dma_wait3A_213 = arith.constant 0 : i32
    %dma_wait3A_214 = tpu.memref_slice %arg4[%select_n3A, %add3A_175, %dma_wait3A_213] : memref<4x2048x768xf32, #tpu.memory_space<hbm>> -> memref<1x32x768xf32, #tpu.memory_space<hbm>>
    %dma_wait3A_215 = tpu.memref_squeeze %dma_wait3A_214 : memref<1x32x768xf32, #tpu.memory_space<hbm>> -> memref<32x768xf32, #tpu.memory_space<hbm>>
    %dma_wait3A_216 = arith.constant 0 : i32
    %dma_wait3A_217 = tpu.memref_slice %arg4[%select_n3A, %add3A_175, %dma_wait3A_216] : memref<4x2048x768xf32, #tpu.memory_space<hbm>> -> memref<1x32x768xf32, #tpu.memory_space<hbm>>
    %dma_wait3A_218 = tpu.memref_squeeze %dma_wait3A_217 : memref<1x32x768xf32, #tpu.memory_space<hbm>> -> memref<32x768xf32, #tpu.memory_space<hbm>>
    tpu.wait_dma2 semaphore(%arg17 : memref<!tpu.dma_semaphore, #tpu.memory_space<semaphore_mem>>) src(%arg7 : memref<32x768xf32, #tpu.memory_space<vmem>>) dst(%dma_wait3A_218 : memref<32x768xf32, #tpu.memory_space<hbm>>)
    %dma_wait3A_219 = arith.constant 0 : i32
    %dma_wait3A_220 = tpu.memref_slice %arg4[%select_n3A, %add3A_188, %dma_wait3A_219] : memref<4x2048x768xf32, #tpu.memory_space<hbm>> -> memref<1x32x768xf32, #tpu.memory_space<hbm>>
    %dma_wait3A_221 = tpu.memref_squeeze %dma_wait3A_220 : memref<1x32x768xf32, #tpu.memory_space<hbm>> -> memref<32x768xf32, #tpu.memory_space<hbm>>
    %dma_wait3A_222 = arith.constant 0 : i32
    %dma_wait3A_223 = tpu.memref_slice %arg4[%select_n3A, %add3A_188, %dma_wait3A_222] : memref<4x2048x768xf32, #tpu.memory_space<hbm>> -> memref<1x32x768xf32, #tpu.memory_space<hbm>>
    %dma_wait3A_224 = tpu.memref_squeeze %dma_wait3A_223 : memref<1x32x768xf32, #tpu.memory_space<hbm>> -> memref<32x768xf32, #tpu.memory_space<hbm>>
    tpu.wait_dma2 semaphore(%arg18 : memref<!tpu.dma_semaphore, #tpu.memory_space<semaphore_mem>>) src(%arg8 : memref<32x768xf32, #tpu.memory_space<vmem>>) dst(%dma_wait3A_224 : memref<32x768xf32, #tpu.memory_space<hbm>>)
    return
  }
}

</mosaic_0001>

<sc_bundles>
// kernel: kernel.3.cloned.1.call-start
scs
__scs_entry_jumppad:
0x0: {  	(pc) =	sbr.rel $0x88, $3  }
0x1: {  	(tag) =	ssettag $0x0;
	lr =	simm.s32 $0x1  }
0x2: {  	[smem:$0x3F9F] =	sst lr;
	_ =	strace $0xD0000000  }
0x3: {  	_ = 	snop  }
0x4: {  	_ = 	snop  }
0x5: {  	_ = 	snop  }
0x6: {  	_ = 	snop  }
0x7: {  	_ = 	snop  }
__scs_overlays_trampoline_lowered:
0x8: {  	[smem:$0x3FAE] =	sst s0  }
0x9: {  	[smem:$0x3FAF] =	sst s1  }
0xa: {  	[smem:$0x3FB0] =	sst s2  }
0xb: {  	[smem:$0x3FB1] =	sst s3  }
0xc: {  	[smem:$0x3FB2] =	sst s4  }
0xd: {  	[smem:$0x3FB3] =	sst s5  }
0xe: {  	[smem:$0x3FB4] =	sst s6  }
0xf: {  	[smem:$0x3FB5] =	sst s7  }
0x10: {  	[smem:$0x3FB6] =	sst s8  }
0x11: {  	[smem:$0x3FB7] =	sst s9;
	s0 =	simm.s32 @!p0 $0x0  }
0x12: {  	s1 =	sld [smem:$0x3F9D];
	s0 =	simm.s32 @p0 $0x1  }
0x13: {  	[smem:$0x3FB8] =	sst s0;
	s0 =	simm.s32 @!p1 $0x0  }
0x14: {  	s2 =	sld [smem:$0x3F9C];
	s0 =	simm.s32 @p1 $0x1  }
0x15: {  	[smem:$0x3FB9] =	sst s0;
	s0 =	simm.s32 @!p2 $0x0  }
0x16: {  	s3 =	sld [smem:$0x3FDB];
	s0 =	simm.s32 @p2 $0x1  }
0x17: {  	s4 =	simm.s32 $0x1BF5;
	[smem:$0x3FBB] =	sst s0  }
0x18: {  	s0 =	sld [smem:$0x3F9E];
	_ =	swait.ge [sflag:s4], $0x0  }
0x19: {  	s7 =	sld [smem:$0x3F9F]  }
0x1a: {  	s8 =	sadd.s32 $0xFFFFE003, lr  }
0x1b: {  	s9 =	sadd.s32 $0xFFFFFEF7, lr;
	s5 =	simm.s32 $0xFFFFFFFF;
	p2 =	slt.u32 s8, $0xFFFFF086  }
0x1c: {  	p1 =	slt.u32 s9, $0xF7A;
	s5 =	simm.s32 @!p2 $0x0  }
0x1d: {  	s5 =	simm.s32 @p1 $0x1;
	p0 =	seq.s32 s7, s2  }
0x1e: {  	s7 =	smul.u32 @!p0 $0xF7A, s2;
	p2 =	seq.s32 @!p0 s5, $0x0  }
0x1f: {  	s9 =	smul.u32 $0xF7A, s1;
	s8 =	simm.s32 @!p0 $0x1BF5;
	p2 =	por !p2, p0  }
0x20: {  	[sflag:s8] =	ssyncset.s32 @!p0 $0xFFFFF086;
	s6 =	sadd.s32 @!p0 s3, s7;
	s7 =	simm.s32 @!p0 $0x108  }
0x21: {  	s3 =	sadd.s32 s3, s9;
	s6 =	sadd.s32 @!p0 $0x88, s6;
	s7 =	simm.s32 @p2 $0x1082  }
0x22: {  	[simem:s7], [sflag:s8] =	dma.local @!p0 [hbm:s6], $0xF7A  }
0x23: {  	s9 =	sor.u32 $0xD0000000, s2;
	s6 =	simm.s32 $0x108;
	_ =	swait.ge @!p0 [sflag:s8], $0x0  }
0x24: {  	s3 =	sadd.s32 $0x88, s3;
	s6 =	simm.s32 @!p1 $0x1082;
	[sflag:s4] =	ssyncset.s32 $0xFFFFF086  }
0x25: {  	[simem:s6], [sflag:s4] =	dma.local [hbm:s3], $0xF7A  }
0x26: {  	[smem:$0x3F9F] =	sst s1;
	(tag) =	ssettag s2;
	_ =	strace s9  }
0x27: {  	s1 =	sld [smem:$0x3FAF]  }
0x28: {  	s2 =	sld [smem:$0x3FB0]  }
0x29: {  	s4 =	sld [smem:$0x3FB2]  }
0x2a: {  	p0 =	seq.s32 s5, $0x0;
	s5 =	sld [smem:$0x3FB3]  }
0x2b: {  	s6 =	sld [smem:$0x3FB4]  }
0x2c: {  	s7 =	sld [smem:$0x3FB5]  }
0x2d: {  	s3 =	simm.s32 $0x108;
	s8 =	sld [smem:$0x3FB6]  }
0x2e: {  	s3 =	simm.s32 @!p0 $0x1082;
	s9 =	sld [smem:$0x3FB7]  }
0x2f: {  	lr =	sadd.s32 s0, s3;
	s0 =	sld [smem:$0x3FAE]  }
0x30: {  	s3 =	sld [smem:$0x3FB1]  }
0x31: {  	[smem:$0x3FBA] =	sst s10  }
0x32: {  	s10 =	sld [smem:$0x3FB8];
	_ =	sdelay $0x3  }
0x33: {  	p0 =	seq.s32 s10, $0x1;
	s10 =	sld [smem:$0x3FBA];
	_ =	sdelay $0x3  }
0x34: {  	[smem:$0x3FBA] =	sst s10  }
0x35: {  	s10 =	sld [smem:$0x3FB9];
	_ =	sdelay $0x3  }
0x36: {  	p1 =	seq.s32 s10, $0x1;
	s10 =	sld [smem:$0x3FBA];
	_ =	sdelay $0x3  }
0x37: {  	[smem:$0x3FBA] =	sst s10  }
0x38: {  	s10 =	sld [smem:$0x3FBB]  }
0x39: {  	_ = 	snop;
	(pc) =	sbr.ind lr, $3  }
0x3a: {  	_ = 	snop  }
0x3b: {  	_ = 	snop  }
0x3c: {  	p2 =	seq.s32 s10, $0x1;
	s10 =	sld [smem:$0x3FBA]  }
0x3d: {  	_ =	shalt  }
0x3e: {  	_ =	shalt  }
0x3f: {  	_ =	shalt  }
0x40: {  	_ =	shalt  }
0x41: {  	_ =	shalt  }
0x42: {  	_ =	shalt  }
0x43: {  	_ =	shalt  }
0x44: {  	_ =	shalt  }
0x45: {  	_ =	shalt  }
0x46: {  	_ =	shalt  }
0x47: {  	_ =	shalt  }
0x48: {  	_ =	shalt  }
0x49: {  	_ =	shalt  }
0x4a: {  	_ =	shalt  }
0x4b: {  	_ =	shalt  }
0x4c: {  	_ =	shalt  }
0x4d: {  	_ =	shalt  }
0x4e: {  	_ =	shalt  }
0x4f: {  	_ =	shalt  }
0x50: {  	_ =	shalt  }
0x51: {  	_ =	shalt  }
0x52: {  	_ =	shalt  }
0x53: {  	_ =	shalt  }
0x54: {  	_ =	shalt  }
0x55: {  	_ =	shalt  }
0x56: {  	_ =	shalt  }
0x57: {  	_ =	shalt  }
0x58: {  	_ =	shalt  }
0x59: {  	_ =	shalt  }
0x5a: {  	_ =	shalt  }
0x5b: {  	_ =	shalt  }
0x5c: {  	_ =	shalt  }
0x5d: {  	_ =	shalt  }
0x5e: {  	_ =	shalt  }
0x5f: {  	_ =	shalt  }
0x60: {  	_ =	shalt  }
0x61: {  	_ =	shalt  }
0x62: {  	_ =	shalt  }
0x63: {  	_ =	shalt  }
0x64: {  	_ =	shalt  }
0x65: {  	_ =	shalt  }
0x66: {  	_ =	shalt  }
0x67: {  	_ =	shalt  }
0x68: {  	_ =	shalt  }
0x69: {  	_ =	shalt  }
0x6a: {  	_ =	shalt  }
0x6b: {  	_ =	shalt  }
0x6c: {  	_ =	shalt  }
0x6d: {  	_ =	shalt  }
0x6e: {  	_ =	shalt  }
0x6f: {  	_ =	shalt  }
0x70: {  	_ =	shalt  }
0x71: {  	_ =	shalt  }
0x72: {  	_ =	shalt  }
0x73: {  	_ =	shalt  }
0x74: {  	_ =	shalt  }
0x75: {  	_ =	shalt  }
0x76: {  	_ =	shalt  }
0x77: {  	_ =	shalt  }
0x78: {  	_ =	shalt  }
0x79: {  	_ =	shalt  }
0x7a: {  	_ =	shalt  }
0x7b: {  	_ =	shalt  }
0x7c: {  	_ =	shalt  }
0x7d: {  	_ =	shalt  }
0x7e: {  	_ =	shalt  }
0x7f: {  	_ =	shalt  }
0x80: {  	_ =	shalt  }
0x81: {  	_ =	shalt  }
0x82: {  	_ =	shalt  }
0x83: {  	_ =	shalt  }
0x84: {  	_ =	shalt  }
0x85: {  	_ =	shalt  }
0x86: {  	_ =	shalt  }
0x87: {  	_ =	shalt  }
.Lfunc_end0:
.L_simem_size_0:
called_computation_lowered:
.L_overlay_start_0:
0x88: {  	s2 =	sld [smem:$0x3FD9]  }
0x89: {  	s3 =	sld [smem:$0x3FFE];
	_ =	sdelay $0x1  }
0x8a: {  	s1 =	srdreg.scid  }
0x8b: {  	s0 =	sand.u32 $0x1, s1  }
0x8c: {  	s18 =	sshll.u32 s0, $0xA;
	s2 =	sadd.s32 s3, s2  }
0x8d: {  	s2 =	sadd.s32 s2, s18  }
0x8e: {  	[smem:$0x3FC6] =	sst s2  }
0x8f: {  	_ = 	snop  }
0x90: {  	s2 =	sld [smem:$0x3FC9]  }
0x91: {  	s19 =	sld [smem:$0x3FC8]  }
0x92: {  	s4 =	sld [smem:$0x3FD0];
	(tm) =	ssettm $0x1  }
0x93: {  	s5 =	sld [smem:$0x3FFB];
	_ =	sdelay $0x3  }
0x94: {  	_ =	strace s5  }
0x95: {  	s5 =	sld [smem:$0x3FFC];
	_ =	sdelay $0x3  }
0x96: {  	_ =	strace s5  }
0x97: {  	s5 =	sld [smem:$0x3FFD];
	_ =	sdelay $0x3  }
0x98: {  	_ =	strace s5  }
0x99: {  	_ =	strace $0x8FFFFFFF  }
0x9a: {  	s20 =	sld [smem:$0x3FDB];
	_ =	sdelay $0x1  }
0x9b: {  	s6 =	simm.s32 $_scs_section_size  }
0x9c: {  	s7 =	simm.s32 $_size__tile_overlayer_lowered;
	s8 =	simm.s32 $_tile_overlayer_lowered  }
0x9d: {  	s23 =	simm.s32 $0x1BFF;
	s22 =	sshll.u32 s8, $0x1;
	s5 =	sadd.s32 s6, s20  }
0x9e: {  	s9 =	simm.s32 $0x0;
	s21 =	sshll.u32 s7, $0x1;
	s7 =	sadd.s32 s22, s5  }
0x9f: {  	[timem:s9], [sflag:s23] =	dma.local [hbm:s7], s21  }
0xa0: {  	_ =	swait.ge [sflag:s23], s21  }
0xa1: {  	s6 =	ssub.s32 $0x0, s21;
	[sflag:s23] =	ssyncset.done $0x0  }
0xa2: {  	[sflag:s23] =	ssyncadd.s32 s6;
	_ =	sdelay $0x1  }
0xa3: {  	s24 =	simm.s32 $0x1B8B  }
0xa4: {  	_ =	swait.ge [sflag:s24], $0x1  }
0xa5: {  	[sflag:s24] =	ssyncset.done $0x0  }
0xa6: {  	s25 =	simm.s32 $0x1B8E;
	[sflag:s24] =	ssyncadd.s32 $0xFFFFFFFF  }
0xa7: {  	s26 =	simm.s32 $execute0_lowered;
	[smem:$0x3FD2] =	sst s25  }
0xa8: {  	s6 =	sshll.u32 s26, $0x1;
	_ =	strace $0x80000046;
	[dreg:$0x1] =	wrdreg $0xFFFFFFFF  }
0xa9: {  	s28 =	simm.s32 $_size_execute0_lowered;
	s5 =	sadd.s32 s5, s6;
	[dreg:$0x0] =	wrdreg $0x0  }
0xaa: {  	s6 =	sshll.u32 s28, $0x1;
	[dreg:$0x2] =	wrdreg s5  }
0xab: {  	[dreg:$0x3] =	wrdreg s6  }
0xac: {  	[dreg:$0x4] =	wrdreg $0xC0  }
0xad: {  	_ =	task [dreg:s9], $0x5FFFF  }
0xae: {  	[dreg:$0x1] =	wrdreg $0xFFFFFFFF  }
0xaf: {  	[dreg:$0x0] =	wrdreg $0x60  }
0xb0: {  	[dreg:$0x2] =	wrdreg s2  }
0xb1: {  	[dreg:$0x3] =	wrdreg s19  }
0xb2: {  	[dreg:$0x4] =	wrdreg s4  }
0xb3: {  	[dreg:$0x5] =	wrdreg $0x9  }
0xb4: {  	_ =	task.clear_ibuf [dreg:s9], $0x6FFFF;
	_ =	strace $0x90000046  }
0xb5: {  	s29 =	simm.s32 $0x9;
	_ =	strace $0x80000048  }
0xb6: {  	_ =	swait.ge [sflag:s29], $0x1  }
0xb7: {  	[sflag:s29] =	ssyncadd.s32 $0xFFFFFFFF  }
0xb8: {  	_ =	strace $0x90000048  }
0xb9: {  	_ =	sfence  }
0xba: {  	s30 =	sld [smem:$0x0];
	_ =	sdelay $0x2  }
0xbb: {  	s31 =	sshll.u32 s1, $0xD;
	s1 =	sshrl.u32 s1, $0x2  }
0xbc: {  	s3 =	sand.u32 $0x4000, s31;
	s1 =	sadd.s32 s1, s30  }
0xbd: {  	s0 =	sor.u32 s3, s0;
	s1 =	sshll.u32 s1, $0x11  }
0xbe: {  	s0 =	sor.u32 s1, s0  }
0xbf: {  	s0 =	sadd.s32 $0x8F2B, s0  }
0xc0: {  	[sflag:s0] =	ssyncadd.remote.s32 $0x1  }
0xc1: {  	_ =	sfence.sel $0xFFFF  }
0xc2: {  	[dreg:$0x0] =	wrdreg $0xFFFFFFFF;
	(pc) =	sbr.abs _section_cstart, $3  }
0xc3: {  	[dreg:$0x1] =	wrdreg $0xFFFFFFFF  }
0xc4: {  	_ =	task.clear_ibuf [dreg:s9], $0x2FFFF;
	_ =	strace $0x9FFFFFFF  }
0xc5: {  	(tm) =	ssettm $0x7FFFFFFF  }
tec
execute0_lowered:
.L_overlay_start_1:
0x0: {  	(tag) =	ssettag $0x1  }
0x1: {  	s0 =	rddreg [dreg:$0x0]  }
0x2: {  	s2 =	rddreg [dreg:$0x1]  }
0x3: {  	s1 =	srdreg.scid;
	s7 =	stileid.u32  }
0x4: {  	s4 =	rddreg [dreg:$0x2];
	s25 =	simm.s32 $0x12900;
	s11 =	simm.s32 $0x16100  }
0x5: {  	s12 =	simm.s32 $0x16900;
	s13 =	simm.s32 $0x17100;
	s14 =	simm.s32 $0x17900  }
0x6: {  	s1 =	sand.u32 $0x1, s1;
	s3 =	sshll.u32 s7, $0x9;
	s7 =	sshrl.u32 s7, $0x2  }
0x7: {  	s5 =	sshll.u32 s1, $0x8;
	s6 =	sand.u32 $0x600, s3;
	s3 =	simm.s32 $0x0  }
0x8: {  	s8 =	sshll.u32 s7, $0x7;
	s7 =	smul.u32 $0x180000, s7;
	[smem:$0x7FF] =	sst s3  }
0x9: {  	s1 =	ssub.s32 $0x2, s1;
	_ =	strace $0x80000047;
	[dreg:$0xd] =	wrdreg s25  }
0xa: {  	s5 =	sor.u32 s5, s6;
	s26 =	sshrl.u32 s1, $0x1;
	[dreg:$0x14] =	wrdreg s11  }
0xb: {  	s6 =	sshll.u32 s5, $0x2;
	s9 =	sshrl.u32 s5, $0x3;
	[dreg:$0x15] =	wrdreg s12  }
0xc: {  	s5 =	sor.u32 $0x80, s5;
	s1 =	ssub.s32 s1, s26;
	[dreg:$0x16] =	wrdreg s13  }
0xd: {  	[dreg:$0x17] =	wrdreg s14;
	s25 =	simm.s32 $0x1D100;
	s26 =	simm.s32 $0x1D900  }
0xe: {  	s6 =	sor.u32 s8, s6;
	s9 =	smul.u32 $0x1800, s9;
	[smem:$0x7FC] =	sst s25  }
0xf: {  	s10 =	sshll.u32 s5, $0x2;
	s5 =	sshrl.u32 s5, $0x3;
	[smem:$0x7FD] =	sst s26  }
0x10: {  	s6 =	sshrl.u32 s6, $0x3;
	s15 =	sor.u32 s8, s10;
	s10 =	simm.s32 $0x15900  }
0x11: {  	s5 =	smul.u32 $0x1800, s5;
	s6 =	sadd.s32 s0, s6;
	[dreg:$0x13] =	wrdreg s10  }
0x12: {  	s16 =	sadd.s32 s7, s9;
	s9 =	simm.s32 $0x15100;
	[dreg:$0x4] =	wrdreg s6  }
0x13: {  	s5 =	sadd.s32 s7, s5;
	s7 =	simm.s32 $0x14100;
	[dreg:$0x12] =	wrdreg s9  }
0x14: {  	s6 =	sshrl.u32 s15, $0x3;
	s15 =	simm.s32 $0x80;
	[dreg:$0x10] =	wrdreg s7  }
0x15: {  	s8 =	sshrl.u32 s16, $0x3;
	s16 =	simm.s32 $0x18900;
	[dreg:$0x18] =	wrdreg s15  }
0x16: {  	s0 =	sadd.s32 s0, s6;
	[dreg:$0x19] =	wrdreg s16  }
0x17: {  	s17 =	sadd.s32 s4, s8;
	[dreg:$0x5] =	wrdreg s0  }
0x18: {  	s6 =	simm.s32 $0x13900;
	[smem:$0x7F9] =	sst s17  }
0x19: {  	s8 =	simm.s32 $0x14900;
	[dreg:$0xf] =	wrdreg s6  }
0x1a: {  	s28 =	simm.s32 $0x7;
	s18 =	sadd.s32 $0xC00, s17;
	[dreg:$0x11] =	wrdreg s8  }
0x1b: {  	s29 =	simm.s32 $0x3;
	s19 =	sadd.s32 $0x1800, s17;
	[dreg:$0x6] =	wrdreg s18  }
0x1c: {  	s5 =	sshrl.u32 s5, $0x3;
	s20 =	sadd.s32 $0x2400, s17;
	[dreg:$0x7] =	wrdreg s19  }
0x1d: {  	s30 =	simm.s32 $0x8;
	s21 =	sadd.s32 s4, s5;
	[dreg:$0x8] =	wrdreg s20  }
0x1e: {  	s31 =	simm.s32 $0x5100;
	s22 =	sadd.s32 $0x3C00, s17;
	[dreg:$0x9] =	wrdreg s21  }
0x1f: {  	s11 =	simm.s32 $0x7100;
	s23 =	sadd.s32 $0x4800, s17;
	[dreg:$0xa] =	wrdreg s22  }
0x20: {  	s25 =	simm.s32 $0x6;
	s24 =	sadd.s32 $0x5400, s17;
	[dreg:$0xb] =	wrdreg s23  }
0x21: {  	s26 =	simm.s32 $0x2;
	s5 =	simm.s32 $0x13100;
	[dreg:$0xc] =	wrdreg s24  }
0x22: {  	s10 =	simm.s32 $0x6100;
	s17 =	simm.s32 $0x19100;
	[dreg:$0xe] =	wrdreg s5  }
0x23: {  	s9 =	simm.s32 $0x7900;
	[dreg:$0x1a] =	wrdreg s17;
	s18 =	simm.s32 $0x19900  }
0x24: {  	s7 =	smax.u32 s1, $0x1;
	s19 =	simm.s32 $0x1A100;
	[dreg:$0x1b] =	wrdreg s18  }
0x25: {  	s15 =	simm.s32 $0x900;
	s20 =	simm.s32 $0x1A900;
	[dreg:$0x1c] =	wrdreg s19  }
0x26: {  	s16 =	simm.s32 $0x1100;
	s21 =	simm.s32 $0x1B100;
	[dreg:$0x1d] =	wrdreg s20  }
0x27: {  	s6 =	sadd.s32 $0x200, s2;
	s22 =	simm.s32 $0x1B900;
	[dreg:$0x1e] =	wrdreg s21  }
0x28: {  	s8 =	simm.s32 $0x5900;
	s23 =	simm.s32 $0x1C100;
	[dreg:$0x1f] =	wrdreg s22  }
0x29: {  	s5 =	sadd.s32 $0x100, s2;
	s24 =	simm.s32 $0x1C900;
	[smem:$0x7FA] =	sst s23  }
0x2a: {  	v2 =	vlaneseq.u32;
	s17 =	simm.s32 $0x1900;
	[smem:$0x7FB] =	sst s24;
	s24 =	simm.s32 $0x1  }
0x2b: {  	vm0 =	vmmov $0xffff;
	v1 =	vshrl.u32 v2, $0x3;
	s21 =	simm.s32 $0x100;
	s18 =	simm.s32 $0x2100;
	s19 =	simm.s32 $0x2900  }
0x2c: {  	v0 =	vand.u32 $0x7, v2;
	v2 =	vor.u32 $0x8, v2;
	v1 =	vmul.u32 $0x8, v1;
	s20 =	simm.s32 $0x3100;
	s22 =	simm.s32 $0x3900;
	s23 =	simm.s32 $0x4100  }
.LBB2_1:
0x2d: {  	s12 =	rddreg [dreg:$0x4];
	s0 =	simm.s32 $0xB  }
0x2e: {  	[tilespmem:s3], [sflag:$0xB] =	stream.linear.gather [hbm4b:s12+s3], $0x80, $0x38;
	[tilespmem:$0x1E100] =	vst v63  }
0x2f: {  	_ =	swait.ge [sflag:s0], $0x80  }
0x30: {  	[sflag:s0] =	ssyncset.done $0x0  }
0x31: {  	[sflag:s0] =	ssyncadd.s32 $0xFFFFFF80  }
0x32: {  	v3 =	vld [tilespmem:$0x0];
	_ =	sdelay $0x4  }
0x33: {  	v4 =	vshrl.u32 v3, $0x3  }
0x34: {  	v4 =	vmul.u32 $0x30, v4  }
0x35: {  	v3 =	vand.u32 $0x7, v3  }
0x36: {  	v3 =	vor.u32 v3, v4  }
0x37: {  	v4 =	vperm.xlane v3, v0;
	_ =	sdelay $0x1  }
0x38: {  	v4 =	vadd.s32 v1, v4;
	_ =	sdelay $0x3  }
0x39: {  	v3 =	vperm.xlane v3, v2  }
0x3a: {  	[tilespmem:s21], [sflag:$0x1] =	stream.indirect_vreg.gather [hbm4b:s2+s3], $0x80, v4, vm0, $0xb8;
	[tilespmem:$0x1E100] =	vst v63  }
0x3b: {  	v3 =	vadd.s32 v1, v3  }
0x3c: {  	[tilespmem:s15], [sflag:$0x1] =	stream.indirect_vreg.gather [hbm4b:s5+s3], $0x80, v4, vm0, $0xb8;
	[tilespmem:$0x1E100] =	vst v63  }
0x3d: {  	_ = 	snop  }
0x3e: {  	[tilespmem:s16], [sflag:$0x1] =	stream.indirect_vreg.gather [hbm4b:s6+s3], $0x80, v4, vm0, $0xb8;
	[tilespmem:$0x1E100] =	vst v63  }
0x3f: {  	_ = 	snop  }
0x40: {  	[tilespmem:s17], [sflag:$0x1] =	stream.indirect_vreg.gather [hbm4b:s2+s3], $0x80, v3, vm0, $0xb8;
	[tilespmem:$0x1E100] =	vst v63  }
0x41: {  	_ = 	snop  }
0x42: {  	[tilespmem:s18], [sflag:$0x1] =	stream.indirect_vreg.gather [hbm4b:s5+s3], $0x80, v3, vm0, $0xb8;
	[tilespmem:$0x1E100] =	vst v63  }
0x43: {  	_ = 	snop  }
0x44: {  	[tilespmem:s19], [sflag:$0x1] =	stream.indirect_vreg.gather [hbm4b:s6+s3], $0x80, v3, vm0, $0xb8;
	[tilespmem:$0x1E100] =	vst v63  }
0x45: {  	v3 =	vld [tilespmem:$0x10];
	_ =	sdelay $0x4  }
0x46: {  	v49 =	vshrl.u32 v3, $0x3  }
0x47: {  	v4 =	vmul.u32 $0x30, v49  }
0x48: {  	v3 =	vand.u32 $0x7, v3  }
0x49: {  	v3 =	vor.u32 v3, v4  }
0x4a: {  	v4 =	vperm.xlane v3, v0;
	_ =	sdelay $0x1  }
0x4b: {  	v4 =	vadd.s32 v1, v4;
	_ =	sdelay $0x3  }
0x4c: {  	v3 =	vperm.xlane v3, v2  }
0x4d: {  	[tilespmem:s20], [sflag:$0x1] =	stream.indirect_vreg.gather [hbm4b:s2+s3], $0x80, v4, vm0, $0xb8;
	[tilespmem:$0x1E100] =	vst v63  }
0x4e: {  	v3 =	vadd.s32 v1, v3  }
0x4f: {  	[tilespmem:s22], [sflag:$0x1] =	stream.indirect_vreg.gather [hbm4b:s5+s3], $0x80, v4, vm0, $0xb8;
	[tilespmem:$0x1E100] =	vst v63  }
0x50: {  	_ = 	snop  }
0x51: {  	[tilespmem:s23], [sflag:$0x1] =	stream.indirect_vreg.gather [hbm4b:s6+s3], $0x80, v4, vm0, $0xb8;
	[tilespmem:$0x1E100] =	vst v63  }
0x52: {  	s4 =	simm.s32 $0x4900  }
0x53: {  	[tilespmem:s4], [sflag:$0x1] =	stream.indirect_vreg.gather [hbm4b:s2+s3], $0x80, v3, vm0, $0xb8;
	[tilespmem:$0x1E100] =	vst v63  }
0x54: {  	_ = 	snop  }
0x55: {  	[tilespmem:s31], [sflag:$0x1] =	stream.indirect_vreg.gather [hbm4b:s5+s3], $0x80, v3, vm0, $0xb8;
	[tilespmem:$0x1E100] =	vst v63  }
0x56: {  	_ = 	snop  }
0x57: {  	[tilespmem:s8], [sflag:$0x1] =	stream.indirect_vreg.gather [hbm4b:s6+s3], $0x80, v3, vm0, $0xb8;
	[tilespmem:$0x1E100] =	vst v63  }
0x58: {  	v3 =	vld [tilespmem:$0x20];
	_ =	sdelay $0x4  }
0x59: {  	v50 =	vshrl.u32 v3, $0x3  }
0x5a: {  	v4 =	vmul.u32 $0x30, v50  }
0x5b: {  	v3 =	vand.u32 $0x7, v3  }
0x5c: {  	v3 =	vor.u32 v3, v4  }
0x5d: {  	v4 =	vperm.xlane v3, v0;
	_ =	sdelay $0x1  }
0x5e: {  	v4 =	vadd.s32 v1, v4;
	_ =	sdelay $0x3  }
0x5f: {  	v3 =	vperm.xlane v3, v2  }
0x60: {  	[tilespmem:s10], [sflag:$0x2] =	stream.indirect_vreg.gather [hbm4b:s2+s3], $0x80, v4, vm0, $0xb8;
	[tilespmem:$0x1E100] =	vst v63  }
0x61: {  	s1 =	simm.s32 $0x6900;
	v3 =	vadd.s32 v1, v3  }
0x62: {  	[tilespmem:s1], [sflag:$0x2] =	stream.indirect_vreg.gather [hbm4b:s5+s3], $0x80, v4, vm0, $0xb8;
	[tilespmem:$0x1E100] =	vst v63  }
0x63: {  	_ = 	snop  }
0x64: {  	[tilespmem:s11], [sflag:$0x2] =	stream.indirect_vreg.gather [hbm4b:s6+s3], $0x80, v4, vm0, $0xb8;
	[tilespmem:$0x1E100] =	vst v63  }
0x65: {  	_ = 	snop  }
0x66: {  	[tilespmem:s9], [sflag:$0x2] =	stream.indirect_vreg.gather [hbm4b:s2+s3], $0x80, v3, vm0, $0xb8;
	[tilespmem:$0x1E100] =	vst v63  }
0x67: {  	s14 =	simm.s32 $0x8100  }
0x68: {  	[tilespmem:s14], [sflag:$0x2] =	stream.indirect_vreg.gather [hbm4b:s5+s3], $0x80, v3, vm0, $0xb8;
	[tilespmem:$0x1E100] =	vst v63  }
0x69: {  	s12 =	simm.s32 $0x8900  }
0x6a: {  	[tilespmem:s12], [sflag:$0x2] =	stream.indirect_vreg.gather [hbm4b:s6+s3], $0x80, v3, vm0, $0xb8;
	[tilespmem:$0x1E100] =	vst v63  }
0x6b: {  	v3 =	vld [tilespmem:$0x30];
	_ =	sdelay $0x4  }
0x6c: {  	v51 =	vshrl.u32 v3, $0x3  }
0x6d: {  	v4 =	vmul.u32 $0x30, v51  }
0x6e: {  	v3 =	vand.u32 $0x7, v3  }
0x6f: {  	v3 =	vor.u32 v3, v4  }
0x70: {  	v4 =	vperm.xlane v3, v0;
	_ =	sdelay $0x1  }
0x71: {  	v4 =	vadd.s32 v1, v4;
	_ =	sdelay $0x3  }
0x72: {  	s13 =	simm.s32 $0x9100;
	v3 =	vperm.xlane v3, v2  }
0x73: {  	[tilespmem:s13], [sflag:$0x2] =	stream.indirect_vreg.gather [hbm4b:s2+s3], $0x80, v4, vm0, $0xb8;
	[tilespmem:$0x1E100] =	vst v63  }
0x74: {  	s14 =	simm.s32 $0x9900;
	v3 =	vadd.s32 v1, v3  }
0x75: {  	[tilespmem:s14], [sflag:$0x2] =	stream.indirect_vreg.gather [hbm4b:s5+s3], $0x80, v4, vm0, $0xb8;
	[tilespmem:$0x1E100] =	vst v63  }
0x76: {  	s12 =	simm.s32 $0xA100  }
0x77: {  	[tilespmem:s12], [sflag:$0x2] =	stream.indirect_vreg.gather [hbm4b:s6+s3], $0x80, v4, vm0, $0xb8;
	[tilespmem:$0x1E100] =	vst v63  }
0x78: {  	s13 =	simm.s32 $0xA900  }
0x79: {  	[tilespmem:s13], [sflag:$0x2] =	stream.indirect_vreg.gather [hbm4b:s2+s3], $0x80, v3, vm0, $0xb8;
	[tilespmem:$0x1E100] =	vst v63  }
0x7a: {  	s14 =	simm.s32 $0xB100  }
0x7b: {  	[tilespmem:s14], [sflag:$0x2] =	stream.indirect_vreg.gather [hbm4b:s5+s3], $0x80, v3, vm0, $0xb8;
	[tilespmem:$0x1E100] =	vst v63  }
0x7c: {  	s12 =	simm.s32 $0xB900  }
0x7d: {  	[tilespmem:s12], [sflag:$0x2] =	stream.indirect_vreg.gather [hbm4b:s6+s3], $0x80, v3, vm0, $0xb8;
	[tilespmem:$0x1E100] =	vst v63  }
0x7e: {  	v3 =	vld [tilespmem:$0x40];
	_ =	sdelay $0x4  }
0x7f: {  	v52 =	vshrl.u32 v3, $0x3  }
0x80: {  	v4 =	vmul.u32 $0x30, v52  }
0x81: {  	v3 =	vand.u32 $0x7, v3  }
0x82: {  	v3 =	vor.u32 v3, v4  }
0x83: {  	v4 =	vperm.xlane v3, v0;
	_ =	sdelay $0x1  }
0x84: {  	v4 =	vadd.s32 v1, v4;
	_ =	sdelay $0x3  }
0x85: {  	s1 =	simm.s32 $0xC100;
	v3 =	vperm.xlane v3, v2  }
0x86: {  	[tilespmem:s1], [sflag:$0x3] =	stream.indirect_vreg.gather [hbm4b:s2+s3], $0x80, v4, vm0, $0xb8;
	[tilespmem:$0x1E100] =	vst v63  }
0x87: {  	s13 =	simm.s32 $0xC900;
	v3 =	vadd.s32 v1, v3  }
0x88: {  	[tilespmem:s13], [sflag:$0x3] =	stream.indirect_vreg.gather [hbm4b:s5+s3], $0x80, v4, vm0, $0xb8;
	[tilespmem:$0x1E100] =	vst v63  }
0x89: {  	s14 =	simm.s32 $0xD100  }
0x8a: {  	[tilespmem:s14], [sflag:$0x3] =	stream.indirect_vreg.gather [hbm4b:s6+s3], $0x80, v4, vm0, $0xb8;
	[tilespmem:$0x1E100] =	vst v63  }
0x8b: {  	s13 =	simm.s32 $0xD900  }
0x8c: {  	[tilespmem:s13], [sflag:$0x3] =	stream.indirect_vreg.gather [hbm4b:s2+s3], $0x80, v3, vm0, $0xb8;
	[tilespmem:$0x1E100] =	vst v63  }
0x8d: {  	s14 =	simm.s32 $0xE100  }
0x8e: {  	[tilespmem:s14], [sflag:$0x3] =	stream.indirect_vreg.gather [hbm4b:s5+s3], $0x80, v3, vm0, $0xb8;
	[tilespmem:$0x1E100] =	vst v63  }
0x8f: {  	s13 =	simm.s32 $0xE900  }
0x90: {  	[tilespmem:s13], [sflag:$0x3] =	stream.indirect_vreg.gather [hbm4b:s6+s3], $0x80, v3, vm0, $0xb8;
	[tilespmem:$0x1E100] =	vst v63  }
0x91: {  	v3 =	vld [tilespmem:$0x50];
	_ =	sdelay $0x4  }
0x92: {  	v53 =	vshrl.u32 v3, $0x3  }
0x93: {  	v4 =	vmul.u32 $0x30, v53  }
0x94: {  	v3 =	vand.u32 $0x7, v3  }
0x95: {  	v3 =	vor.u32 v3, v4  }
0x96: {  	v4 =	vperm.xlane v3, v0;
	_ =	sdelay $0x1  }
0x97: {  	v4 =	vadd.s32 v1, v4;
	_ =	sdelay $0x3  }
0x98: {  	s14 =	simm.s32 $0xF100;
	v3 =	vperm.xlane v3, v2  }
0x99: {  	[tilespmem:s14], [sflag:$0x3] =	stream.indirect_vreg.gather [hbm4b:s2+s3], $0x80, v4, vm0, $0xb8;
	[tilespmem:$0x1E100] =	vst v63  }
0x9a: {  	s13 =	simm.s32 $0xF900;
	v3 =	vadd.s32 v1, v3  }
0x9b: {  	[tilespmem:s13], [sflag:$0x3] =	stream.indirect_vreg.gather [hbm4b:s5+s3], $0x80, v4, vm0, $0xb8;
	[tilespmem:$0x1E100] =	vst v63  }
0x9c: {  	s14 =	simm.s32 $0x10100  }
0x9d: {  	[tilespmem:s14], [sflag:$0x3] =	stream.indirect_vreg.gather [hbm4b:s6+s3], $0x80, v4, vm0, $0xb8;
	[tilespmem:$0x1E100] =	vst v63  }
0x9e: {  	s13 =	simm.s32 $0x10900  }
0x9f: {  	[tilespmem:s13], [sflag:$0x3] =	stream.indirect_vreg.gather [hbm4b:s2+s3], $0x80, v3, vm0, $0xb8;
	[tilespmem:$0x1E100] =	vst v63  }
0xa0: {  	s14 =	simm.s32 $0x11100  }
0xa1: {  	[tilespmem:s14], [sflag:$0x3] =	stream.indirect_vreg.gather [hbm4b:s5+s3], $0x80, v3, vm0, $0xb8;
	[tilespmem:$0x1E100] =	vst v63  }
0xa2: {  	s13 =	simm.s32 $0x11900  }
0xa3: {  	[tilespmem:s13], [sflag:$0x3] =	stream.indirect_vreg.gather [hbm4b:s6+s3], $0x80, v3, vm0, $0xb8;
	[tilespmem:$0x1E100] =	vst v63  }
0xa4: {  	v3 =	vld [tilespmem:$0x60];
	_ =	sdelay $0x4  }
0xa5: {  	v54 =	vshrl.u32 v3, $0x3  }
0xa6: {  	v4 =	vmul.u32 $0x30, v54  }
0xa7: {  	v3 =	vand.u32 $0x7, v3  }
0xa8: {  	v3 =	vor.u32 v3, v4  }
0xa9: {  	v4 =	vperm.xlane v3, v0;
	_ =	sdelay $0x1  }
0xaa: {  	v4 =	vadd.s32 v1, v4;
	_ =	sdelay $0x3  }
0xab: {  	s13 =	simm.s32 $0x12100;
	v3 =	vperm.xlane v3, v2  }
0xac: {  	[tilespmem:s13], [sflag:$0x4] =	stream.indirect_vreg.gather [hbm4b:s2+s3], $0x80, v4, vm0, $0xb8;
	[tilespmem:$0x1E100] =	vst v63  }
0xad: {  	s14 =	rddreg [dreg:$0xd];
	v3 =	vadd.s32 v1, v3  }
0xae: {  	[tilespmem:s14], [sflag:$0x4] =	stream.indirect_vreg.gather [hbm4b:s5+s3], $0x80, v4, vm0, $0xb8;
	[tilespmem:$0x1E100] =	vst v63  }
0xaf: {  	s13 =	rddreg [dreg:$0xe]  }
0xb0: {  	[tilespmem:s13], [sflag:$0x4] =	stream.indirect_vreg.gather [hbm4b:s6+s3], $0x80, v4, vm0, $0xb8;
	[tilespmem:$0x1E100] =	vst v63  }
0xb1: {  	s14 =	rddreg [dreg:$0xf]  }
0xb2: {  	[tilespmem:s14], [sflag:$0x4] =	stream.indirect_vreg.gather [hbm4b:s2+s3], $0x80, v3, vm0, $0xb8;
	[tilespmem:$0x1E100] =	vst v63  }
0xb3: {  	s13 =	rddreg [dreg:$0x10]  }
0xb4: {  	[tilespmem:s13], [sflag:$0x4] =	stream.indirect_vreg.gather [hbm4b:s5+s3], $0x80, v3, vm0, $0xb8;
	[tilespmem:$0x1E100] =	vst v63  }
0xb5: {  	s14 =	rddreg [dreg:$0x11]  }
0xb6: {  	[tilespmem:s14], [sflag:$0x4] =	stream.indirect_vreg.gather [hbm4b:s6+s3], $0x80, v3, vm0, $0xb8;
	[tilespmem:$0x1E100] =	vst v63  }
0xb7: {  	v3 =	vld [tilespmem:$0x70];
	_ =	sdelay $0x4  }
0xb8: {  	v55 =	vshrl.u32 v3, $0x3  }
0xb9: {  	v4 =	vmul.u32 $0x30, v55  }
0xba: {  	v3 =	vand.u32 $0x7, v3  }
0xbb: {  	v3 =	vor.u32 v3, v4  }
0xbc: {  	v4 =	vperm.xlane v3, v0;
	_ =	sdelay $0x1  }
0xbd: {  	v4 =	vadd.s32 v1, v4;
	_ =	sdelay $0x2  }
0xbe: {  	s12 =	rddreg [dreg:$0x17]  }
0xbf: {  	s14 =	rddreg [dreg:$0x12];
	v3 =	vperm.xlane v3, v2  }
0xc0: {  	[tilespmem:s14], [sflag:$0x4] =	stream.indirect_vreg.gather [hbm4b:s2+s3], $0x80, v4, vm0, $0xb8;
	[tilespmem:$0x1E100] =	vst v63  }
0xc1: {  	s13 =	rddreg [dreg:$0x13];
	v3 =	vadd.s32 v1, v3  }
0xc2: {  	[tilespmem:s13], [sflag:$0x4] =	stream.indirect_vreg.gather [hbm4b:s5+s3], $0x80, v4, vm0, $0xb8;
	[tilespmem:$0x1E100] =	vst v63  }
0xc3: {  	s14 =	rddreg [dreg:$0x14]  }
0xc4: {  	[tilespmem:s14], [sflag:$0x4] =	stream.indirect_vreg.gather [hbm4b:s6+s3], $0x80, v4, vm0, $0xb8;
	[tilespmem:$0x1E100] =	vst v63  }
0xc5: {  	s13 =	rddreg [dreg:$0x15]  }
0xc6: {  	[tilespmem:s13], [sflag:$0x4] =	stream.indirect_vreg.gather [hbm4b:s2+s3], $0x80, v3, vm0, $0xb8;
	[tilespmem:$0x1E100] =	vst v63  }
0xc7: {  	s14 =	rddreg [dreg:$0x16]  }
0xc8: {  	[tilespmem:s14], [sflag:$0x4] =	stream.indirect_vreg.gather [hbm4b:s5+s3], $0x80, v3, vm0, $0xb8;
	[tilespmem:$0x1E100] =	vst v63  }
0xc9: {  	s13 =	rddreg [dreg:$0x5]  }
0xca: {  	[tilespmem:s12], [sflag:$0x4] =	stream.indirect_vreg.gather [hbm4b:s6+s3], $0x80, v3, vm0, $0xb8;
	[tilespmem:$0x1E100] =	vst v63  }
0xcb: {  	s14 =	rddreg [dreg:$0x18]  }
0xcc: {  	[tilespmem:s14], [sflag:$0xB] =	stream.linear.gather [hbm4b:s13+s3], $0x80, $0x38;
	[tilespmem:$0x1E100] =	vst v63  }
0xcd: {  	_ =	swait.ge [sflag:s0], $0x80  }
0xce: {  	[sflag:s0] =	ssyncset.done $0x0  }
0xcf: {  	[sflag:s0] =	ssyncadd.s32 $0xFFFFFF80  }
0xd0: {  	v3 =	vld [tilespmem:$0x80];
	_ =	sdelay $0x4  }
0xd1: {  	v56 =	vshrl.u32 v3, $0x3  }
0xd2: {  	v4 =	vmul.u32 $0x30, v56  }
0xd3: {  	v3 =	vand.u32 $0x7, v3  }
0xd4: {  	v3 =	vor.u32 v3, v4  }
0xd5: {  	v4 =	vperm.xlane v3, v0;
	_ =	sdelay $0x1  }
0xd6: {  	v4 =	vadd.s32 v1, v4;
	_ =	sdelay $0x3  }
0xd7: {  	s0 =	simm.s32 $0x18100;
	v3 =	vperm.xlane v3, v2  }
0xd8: {  	[tilespmem:s0], [sflag:$0x5] =	stream.indirect_vreg.gather [hbm4b:s2+s3], $0x80, v4, vm0, $0xb8;
	[tilespmem:$0x1E100] =	vst v63  }
0xd9: {  	s14 =	rddreg [dreg:$0x19];
	v3 =	vadd.s32 v1, v3  }
0xda: {  	[tilespmem:s14], [sflag:$0x5] =	stream.indirect_vreg.gather [hbm4b:s5+s3], $0x80, v4, vm0, $0xb8;
	[tilespmem:$0x1E100] =	vst v63  }
0xdb: {  	s13 =	rddreg [dreg:$0x1a]  }
0xdc: {  	[tilespmem:s13], [sflag:$0x5] =	stream.indirect_vreg.gather [hbm4b:s6+s3], $0x80, v4, vm0, $0xb8;
	[tilespmem:$0x1E100] =	vst v63  }
0xdd: {  	s14 =	rddreg [dreg:$0x1b]  }
0xde: {  	[tilespmem:s14], [sflag:$0x5] =	stream.indirect_vreg.gather [hbm4b:s2+s3], $0x80, v3, vm0, $0xb8;
	[tilespmem:$0x1E100] =	vst v63  }
0xdf: {  	s13 =	rddreg [dreg:$0x1c]  }
0xe0: {  	[tilespmem:s13], [sflag:$0x5] =	stream.indirect_vreg.gather [hbm4b:s5+s3], $0x80, v3, vm0, $0xb8;
	[tilespmem:$0x1E100] =	vst v63  }
0xe1: {  	s14 =	rddreg [dreg:$0x1d]  }
0xe2: {  	[tilespmem:s14], [sflag:$0x5] =	stream.indirect_vreg.gather [hbm4b:s6+s3], $0x80, v3, vm0, $0xb8;
	[tilespmem:$0x1E100] =	vst v63  }
0xe3: {  	v3 =	vld [tilespmem:$0x90];
	_ =	sdelay $0x4  }
0xe4: {  	v57 =	vshrl.u32 v3, $0x3  }
0xe5: {  	v4 =	vmul.u32 $0x30, v57  }
0xe6: {  	v3 =	vand.u32 $0x7, v3  }
0xe7: {  	v3 =	vor.u32 v3, v4  }
0xe8: {  	v4 =	vperm.xlane v3, v0;
	_ =	sdelay $0x1  }
0xe9: {  	v4 =	vadd.s32 v1, v4;
	_ =	sdelay $0x2  }
0xea: {  	s12 =	sld [smem:$0x7FA]  }
0xeb: {  	s13 =	rddreg [dreg:$0x1e];
	v3 =	vperm.xlane v3, v2  }
0xec: {  	[tilespmem:s13], [sflag:$0x5] =	stream.indirect_vreg.gather [hbm4b:s2+s3], $0x80, v4, vm0, $0xb8;
	[tilespmem:$0x1E100] =	vst v63  }
0xed: {  	s14 =	rddreg [dreg:$0x1f];
	v3 =	vadd.s32 v1, v3  }
0xee: {  	[tilespmem:s14], [sflag:$0x5] =	stream.indirect_vreg.gather [hbm4b:s5+s3], $0x80, v4, vm0, $0xb8;
	[tilespmem:$0x1E100] =	vst v63  }
0xef: {  	s14 =	sld [smem:$0x7FB]  }
0xf0: {  	[tilespmem:s12], [sflag:$0x5] =	stream.indirect_vreg.gather [hbm4b:s6+s3], $0x80, v4, vm0, $0xb8;
	[tilespmem:$0x1E100] =	vst v63  }
0xf1: {  	s12 =	sld [smem:$0x7FC]  }
0xf2: {  	[tilespmem:s14], [sflag:$0x5] =	stream.indirect_vreg.gather [hbm4b:s2+s3], $0x80, v3, vm0, $0xb8;
	[tilespmem:$0x1E100] =	vst v63  }
0xf3: {  	s14 =	sld [smem:$0x7FD]  }
0xf4: {  	[tilespmem:s12], [sflag:$0x5] =	stream.indirect_vreg.gather [hbm4b:s5+s3], $0x80, v3, vm0, $0xb8;
	[tilespmem:$0x1E100] =	vst v63  }
0xf5: {  	_ = 	snop  }
0xf6: {  	[tilespmem:s14], [sflag:$0x5] =	stream.indirect_vreg.gather [hbm4b:s6+s3], $0x80, v3, vm0, $0xb8;
	[tilespmem:$0x1E100] =	vst v63  }
0xf7: {  	_ =	swait.ge [sflag:s24], $0x6000  }
0xf8: {  	s14 =	sld [smem:$0x7F9]  }
0xf9: {  	[sflag:s24] =	ssyncset.done $0x0  }
0xfa: {  	[sflag:s24] =	ssyncadd.s32 $0xFFFFA000  }
0xfb: {  	[hbm4b:s14+s3] =	stream.linear.scatter [tilespmem:s21], [sflag:$0x6], $0x6000, $0x38;
	[tilespmem:$0x1E100] =	vst v63  }
0xfc: {  	_ =	swait.ge [sflag:s25], $0x6000  }
0xfd: {  	[sflag:s25] =	ssyncset.done $0x0  }
0xfe: {  	[sflag:s25] =	ssyncadd.s32 $0xFFFFA000  }
0xff: {  	v3 =	vld [tilespmem:$0xA0];
	_ =	sdelay $0x4  }
0x100: {  	v58 =	vshrl.u32 v3, $0x3  }
0x101: {  	v4 =	vmul.u32 $0x30, v58  }
0x102: {  	v3 =	vand.u32 $0x7, v3  }
0x103: {  	v3 =	vor.u32 v3, v4  }
0x104: {  	v4 =	vperm.xlane v3, v0;
	_ =	sdelay $0x1  }
0x105: {  	v4 =	vadd.s32 v1, v4;
	_ =	sdelay $0x3  }
0x106: {  	v3 =	vperm.xlane v3, v2  }
0x107: {  	[tilespmem:s21], [sflag:$0x1] =	stream.indirect_vreg.gather [hbm4b:s2+s3], $0x80, v4, vm0, $0xb8;
	[tilespmem:$0x1E100] =	vst v63  }
0x108: {  	v3 =	vadd.s32 v1, v3  }
0x109: {  	[tilespmem:s15], [sflag:$0x1] =	stream.indirect_vreg.gather [hbm4b:s5+s3], $0x80, v4, vm0, $0xb8;
	[tilespmem:$0x1E100] =	vst v63  }
0x10a: {  	_ = 	snop  }
0x10b: {  	[tilespmem:s16], [sflag:$0x1] =	stream.indirect_vreg.gather [hbm4b:s6+s3], $0x80, v4, vm0, $0xb8;
	[tilespmem:$0x1E100] =	vst v63  }
0x10c: {  	_ = 	snop  }
0x10d: {  	[tilespmem:s17], [sflag:$0x1] =	stream.indirect_vreg.gather [hbm4b:s2+s3], $0x80, v3, vm0, $0xb8;
	[tilespmem:$0x1E100] =	vst v63  }
0x10e: {  	_ = 	snop  }
0x10f: {  	[tilespmem:s18], [sflag:$0x1] =	stream.indirect_vreg.gather [hbm4b:s5+s3], $0x80, v3, vm0, $0xb8;
	[tilespmem:$0x1E100] =	vst v63  }
0x110: {  	_ = 	snop  }
0x111: {  	[tilespmem:s19], [sflag:$0x1] =	stream.indirect_vreg.gather [hbm4b:s6+s3], $0x80, v3, vm0, $0xb8;
	[tilespmem:$0x1E100] =	vst v63  }
0x112: {  	v3 =	vld [tilespmem:$0xB0];
	_ =	sdelay $0x4  }
0x113: {  	v59 =	vshrl.u32 v3, $0x3  }
0x114: {  	v4 =	vmul.u32 $0x30, v59  }
0x115: {  	v3 =	vand.u32 $0x7, v3  }
0x116: {  	v3 =	vor.u32 v3, v4  }
0x117: {  	v4 =	vperm.xlane v3, v0;
	_ =	sdelay $0x1  }
0x118: {  	v4 =	vadd.s32 v1, v4;
	_ =	sdelay $0x3  }
0x119: {  	v3 =	vperm.xlane v3, v2  }
0x11a: {  	[tilespmem:s20], [sflag:$0x1] =	stream.indirect_vreg.gather [hbm4b:s2+s3], $0x80, v4, vm0, $0xb8;
	[tilespmem:$0x1E100] =	vst v63  }
0x11b: {  	v3 =	vadd.s32 v1, v3  }
0x11c: {  	[tilespmem:s22], [sflag:$0x1] =	stream.indirect_vreg.gather [hbm4b:s5+s3], $0x80, v4, vm0, $0xb8;
	[tilespmem:$0x1E100] =	vst v63  }
0x11d: {  	_ = 	snop  }
0x11e: {  	[tilespmem:s23], [sflag:$0x1] =	stream.indirect_vreg.gather [hbm4b:s6+s3], $0x80, v4, vm0, $0xb8;
	[tilespmem:$0x1E100] =	vst v63  }
0x11f: {  	_ = 	snop  }
0x120: {  	[tilespmem:s4], [sflag:$0x1] =	stream.indirect_vreg.gather [hbm4b:s2+s3], $0x80, v3, vm0, $0xb8;
	[tilespmem:$0x1E100] =	vst v63  }
0x121: {  	_ = 	snop  }
0x122: {  	[tilespmem:s31], [sflag:$0x1] =	stream.indirect_vreg.gather [hbm4b:s5+s3], $0x80, v3, vm0, $0xb8;
	[tilespmem:$0x1E100] =	vst v63  }
0x123: {  	_ = 	snop  }
0x124: {  	[tilespmem:s8], [sflag:$0x1] =	stream.indirect_vreg.gather [hbm4b:s6+s3], $0x80, v3, vm0, $0xb8;
	[tilespmem:$0x1E100] =	vst v63  }
0x125: {  	_ =	swait.ge [sflag:s26], $0x6000  }
0x126: {  	[sflag:s26] =	ssyncset.done $0x0  }
0x127: {  	s4 =	rddreg [dreg:$0x6];
	[sflag:s26] =	ssyncadd.s32 $0xFFFFA000  }
0x128: {  	[hbm4b:s4+s3] =	stream.linear.scatter [tilespmem:s10], [sflag:$0x7], $0x6000, $0x38;
	[tilespmem:$0x1E100] =	vst v63  }
0x129: {  	_ =	swait.ge [sflag:s28], $0x6000  }
0x12a: {  	[sflag:s28] =	ssyncset.done $0x0  }
0x12b: {  	[sflag:s28] =	ssyncadd.s32 $0xFFFFA000  }
0x12c: {  	v3 =	vld [tilespmem:$0xC0];
	_ =	sdelay $0x4  }
0x12d: {  	v60 =	vshrl.u32 v3, $0x3  }
0x12e: {  	v4 =	vmul.u32 $0x30, v60  }
0x12f: {  	v3 =	vand.u32 $0x7, v3  }
0x130: {  	v3 =	vor.u32 v3, v4  }
0x131: {  	v4 =	vperm.xlane v3, v0;
	_ =	sdelay $0x1  }
0x132: {  	v4 =	vadd.s32 v1, v4;
	_ =	sdelay $0x3  }
0x133: {  	v3 =	vperm.xlane v3, v2  }
0x134: {  	[tilespmem:s10], [sflag:$0x2] =	stream.indirect_vreg.gather [hbm4b:s2+s3], $0x80, v4, vm0, $0xb8;
	[tilespmem:$0x1E100] =	vst v63  }
0x135: {  	s12 =	simm.s32 $0x6900;
	v3 =	vadd.s32 v1, v3  }
0x136: {  	[tilespmem:s12], [sflag:$0x2] =	stream.indirect_vreg.gather [hbm4b:s5+s3], $0x80, v4, vm0, $0xb8;
	[tilespmem:$0x1E100] =	vst v63  }
0x137: {  	_ = 	snop  }
0x138: {  	[tilespmem:s11], [sflag:$0x2] =	stream.indirect_vreg.gather [hbm4b:s6+s3], $0x80, v4, vm0, $0xb8;
	[tilespmem:$0x1E100] =	vst v63  }
0x139: {  	_ = 	snop  }
0x13a: {  	[tilespmem:s9], [sflag:$0x2] =	stream.indirect_vreg.gather [hbm4b:s2+s3], $0x80, v3, vm0, $0xb8;
	[tilespmem:$0x1E100] =	vst v63  }
0x13b: {  	s13 =	simm.s32 $0x8100  }
0x13c: {  	[tilespmem:s13], [sflag:$0x2] =	stream.indirect_vreg.gather [hbm4b:s5+s3], $0x80, v3, vm0, $0xb8;
	[tilespmem:$0x1E100] =	vst v63  }
0x13d: {  	s14 =	simm.s32 $0x8900  }
0x13e: {  	[tilespmem:s14], [sflag:$0x2] =	stream.indirect_vreg.gather [hbm4b:s6+s3], $0x80, v3, vm0, $0xb8;
	[tilespmem:$0x1E100] =	vst v63  }
0x13f: {  	v3 =	vld [tilespmem:$0xD0];
	_ =	sdelay $0x4  }
0x140: {  	v61 =	vshrl.u32 v3, $0x3  }
0x141: {  	v4 =	vmul.u32 $0x30, v61  }
0x142: {  	v3 =	vand.u32 $0x7, v3  }
0x143: {  	v3 =	vor.u32 v3, v4  }
0x144: {  	v4 =	vperm.xlane v3, v0;
	_ =	sdelay $0x1  }
0x145: {  	v4 =	vadd.s32 v1, v4;
	_ =	sdelay $0x3  }
0x146: {  	s12 =	simm.s32 $0x9100;
	v3 =	vperm.xlane v3, v2  }
0x147: {  	[tilespmem:s12], [sflag:$0x2] =	stream.indirect_vreg.gather [hbm4b:s2+s3], $0x80, v4, vm0, $0xb8;
	[tilespmem:$0x1E100] =	vst v63  }
0x148: {  	s13 =	simm.s32 $0x9900;
	v3 =	vadd.s32 v1, v3  }
0x149: {  	[tilespmem:s13], [sflag:$0x2] =	stream.indirect_vreg.gather [hbm4b:s5+s3], $0x80, v4, vm0, $0xb8;
	[tilespmem:$0x1E100] =	vst v63  }
0x14a: {  	s14 =	simm.s32 $0xA100  }
0x14b: {  	[tilespmem:s14], [sflag:$0x2] =	stream.indirect_vreg.gather [hbm4b:s6+s3], $0x80, v4, vm0, $0xb8;
	[tilespmem:$0x1E100] =	vst v63  }
0x14c: {  	s12 =	simm.s32 $0xA900  }
0x14d: {  	[tilespmem:s12], [sflag:$0x2] =	stream.indirect_vreg.gather [hbm4b:s2+s3], $0x80, v3, vm0, $0xb8;
	[tilespmem:$0x1E100] =	vst v63  }
0x14e: {  	s13 =	simm.s32 $0xB100  }
0x14f: {  	[tilespmem:s13], [sflag:$0x2] =	stream.indirect_vreg.gather [hbm4b:s5+s3], $0x80, v3, vm0, $0xb8;
	[tilespmem:$0x1E100] =	vst v63  }
0x150: {  	s14 =	simm.s32 $0xB900  }
0x151: {  	[tilespmem:s14], [sflag:$0x2] =	stream.indirect_vreg.gather [hbm4b:s6+s3], $0x80, v3, vm0, $0xb8;
	[tilespmem:$0x1E100] =	vst v63  }
0x152: {  	_ =	swait.ge [sflag:s29], $0x6000  }
0x153: {  	[sflag:s29] =	ssyncset.done $0x0  }
0x154: {  	s4 =	rddreg [dreg:$0x7];
	[sflag:s29] =	ssyncadd.s32 $0xFFFFA000  }
0x155: {  	[hbm4b:s4+s3] =	stream.linear.scatter [tilespmem:s1], [sflag:$0x8], $0x6000, $0x38;
	[tilespmem:$0x1E100] =	vst v63  }
0x156: {  	_ =	swait.ge [sflag:s30], $0x6000  }
0x157: {  	[sflag:s30] =	ssyncset.done $0x0  }
0x158: {  	[sflag:s30] =	ssyncadd.s32 $0xFFFFA000  }
0x159: {  	v3 =	vld [tilespmem:$0xE0];
	_ =	sdelay $0x4  }
0x15a: {  	v62 =	vshrl.u32 v3, $0x3  }
0x15b: {  	v4 =	vmul.u32 $0x30, v62  }
0x15c: {  	v3 =	vand.u32 $0x7, v3  }
0x15d: {  	v3 =	vor.u32 v3, v4  }
0x15e: {  	v4 =	vperm.xlane v3, v0;
	_ =	sdelay $0x1  }
0x15f: {  	v4 =	vadd.s32 v1, v4;
	_ =	sdelay $0x3  }
0x160: {  	v3 =	vperm.xlane v3, v2  }
0x161: {  	[tilespmem:s1], [sflag:$0x3] =	stream.indirect_vreg.gather [hbm4b:s2+s3], $0x80, v4, vm0, $0xb8;
	[tilespmem:$0x1E100] =	vst v63  }
0x162: {  	s13 =	simm.s32 $0xC900;
	v3 =	vadd.s32 v1, v3  }
0x163: {  	[tilespmem:s13], [sflag:$0x3] =	stream.indirect_vreg.gather [hbm4b:s5+s3], $0x80, v4, vm0, $0xb8;
	[tilespmem:$0x1E100] =	vst v63  }
0x164: {  	s14 =	simm.s32 $0xD100  }
0x165: {  	[tilespmem:s14], [sflag:$0x3] =	stream.indirect_vreg.gather [hbm4b:s6+s3], $0x80, v4, vm0, $0xb8;
	[tilespmem:$0x1E100] =	vst v63  }
0x166: {  	s12 =	simm.s32 $0xD900  }
0x167: {  	[tilespmem:s12], [sflag:$0x3] =	stream.indirect_vreg.gather [hbm4b:s2+s3], $0x80, v3, vm0, $0xb8;
	[tilespmem:$0x1E100] =	vst v63  }
0x168: {  	s13 =	simm.s32 $0xE100  }
0x169: {  	[tilespmem:s13], [sflag:$0x3] =	stream.indirect_vreg.gather [hbm4b:s5+s3], $0x80, v3, vm0, $0xb8;
	[tilespmem:$0x1E100] =	vst v63  }
0x16a: {  	s14 =	simm.s32 $0xE900  }
0x16b: {  	[tilespmem:s14], [sflag:$0x3] =	stream.indirect_vreg.gather [hbm4b:s6+s3], $0x80, v3, vm0, $0xb8;
	[tilespmem:$0x1E100] =	vst v63  }
0x16c: {  	v3 =	vld [tilespmem:$0xF0];
	_ =	sdelay $0x4  }
0x16d: {  	v63 =	vshrl.u32 v3, $0x3  }
0x16e: {  	v4 =	vmul.u32 $0x30, v63  }
0x16f: {  	v3 =	vand.u32 $0x7, v3  }
0x170: {  	v3 =	vor.u32 v3, v4  }
0x171: {  	v4 =	vperm.xlane v3, v0;
	_ =	sdelay $0x1  }
0x172: {  	v4 =	vadd.s32 v1, v4;
	_ =	sdelay $0x3  }
0x173: {  	s12 =	simm.s32 $0xF100;
	v3 =	vperm.xlane v3, v2  }
0x174: {  	[tilespmem:s12], [sflag:$0x3] =	stream.indirect_vreg.gather [hbm4b:s2+s3], $0x80, v4, vm0, $0xb8;
	[tilespmem:$0x1E100] =	vst v63  }
0x175: {  	s13 =	simm.s32 $0xF900;
	v3 =	vadd.s32 v1, v3  }
0x176: {  	[tilespmem:s13], [sflag:$0x3] =	stream.indirect_vreg.gather [hbm4b:s5+s3], $0x80, v4, vm0, $0xb8;
	[tilespmem:$0x1E100] =	vst v63  }
0x177: {  	s14 =	simm.s32 $0x10100  }
0x178: {  	[tilespmem:s14], [sflag:$0x3] =	stream.indirect_vreg.gather [hbm4b:s6+s3], $0x80, v4, vm0, $0xb8;
	[tilespmem:$0x1E100] =	vst v63  }
0x179: {  	s12 =	simm.s32 $0x10900  }
0x17a: {  	[tilespmem:s12], [sflag:$0x3] =	stream.indirect_vreg.gather [hbm4b:s2+s3], $0x80, v3, vm0, $0xb8;
	[tilespmem:$0x1E100] =	vst v63  }
0x17b: {  	s13 =	simm.s32 $0x11100  }
0x17c: {  	[tilespmem:s13], [sflag:$0x3] =	stream.indirect_vreg.gather [hbm4b:s5+s3], $0x80, v3, vm0, $0xb8;
	[tilespmem:$0x1E100] =	vst v63  }
0x17d: {  	s14 =	simm.s32 $0x11900;
	s12 =	simm.s32 $0x4  }
0x17e: {  	[tilespmem:s14], [sflag:$0x3] =	stream.indirect_vreg.gather [hbm4b:s6+s3], $0x80, v3, vm0, $0xb8;
	[tilespmem:$0x1E100] =	vst v63  }
0x17f: {  	_ =	swait.ge [sflag:s12], $0x6000  }
0x180: {  	s14 =	simm.s32 $0x12100;
	[sflag:s12] =	ssyncset.done $0x0  }
0x181: {  	s13 =	rddreg [dreg:$0x8];
	[sflag:s12] =	ssyncadd.s32 $0xFFFFA000;
	s12 =	simm.s32 $0x5  }
0x182: {  	[hbm4b:s13+s3] =	stream.linear.scatter [tilespmem:s14], [sflag:$0x9], $0x6000, $0x38;
	[tilespmem:$0x1E100] =	vst v63  }
0x183: {  	_ =	swait.ge [sflag:s12], $0x6000  }
0x184: {  	[sflag:s12] =	ssyncset.done $0x0  }
0x185: {  	s13 =	rddreg [dreg:$0x9];
	[sflag:s12] =	ssyncadd.s32 $0xFFFFA000  }
0x186: {  	[hbm4b:s13+s3] =	stream.linear.scatter [tilespmem:s0], [sflag:$0xA], $0x6000, $0x38;
	[tilespmem:$0x1E100] =	vst v63  }
0x187: {  	_ =	swait.ge [sflag:s24], $0x6000  }
0x188: {  	[sflag:s24] =	ssyncset.done $0x0  }
0x189: {  	s14 =	rddreg [dreg:$0xa];
	[sflag:s24] =	ssyncadd.s32 $0xFFFFA000  }
0x18a: {  	[hbm4b:s14+s3] =	stream.linear.scatter [tilespmem:s21], [sflag:$0x6], $0x6000, $0x38;
	[tilespmem:$0x1E100] =	vst v63  }
0x18b: {  	_ =	swait.ge [sflag:s26], $0x6000  }
0x18c: {  	[sflag:s26] =	ssyncset.done $0x0  }
0x18d: {  	s0 =	rddreg [dreg:$0xb];
	[sflag:s26] =	ssyncadd.s32 $0xFFFFA000  }
0x18e: {  	[hbm4b:s0+s3] =	stream.linear.scatter [tilespmem:s10], [sflag:$0x7], $0x6000, $0x38;
	[tilespmem:$0x1E100] =	vst v63  }
0x18f: {  	_ =	swait.ge [sflag:s29], $0x6000  }
0x190: {  	[sflag:s29] =	ssyncset.done $0x0  }
0x191: {  	s13 =	simm.s32 $0x9;
	s4 =	rddreg [dreg:$0xc];
	[sflag:s29] =	ssyncadd.s32 $0xFFFFA000  }
0x192: {  	[hbm4b:s4+s3] =	stream.linear.scatter [tilespmem:s1], [sflag:$0x8], $0x6000, $0x38;
	[tilespmem:$0x1E100] =	vst v63  }
0x193: {  	_ =	swait.ge [sflag:s13], $0x6000  }
0x194: {  	[sflag:s13] =	ssyncset.done $0x0  }
0x195: {  	s14 =	simm.s32 $0xA;
	[sflag:s13] =	ssyncadd.s32 $0xFFFFA000  }
0x196: {  	_ =	swait.ge [sflag:s14], $0x6000  }
0x197: {  	[sflag:s14] =	ssyncset.done $0x0  }
0x198: {  	[sflag:s14] =	ssyncadd.s32 $0xFFFFA000  }
0x199: {  	_ =	swait.ge [sflag:s25], $0x6000  }
0x19a: {  	[sflag:s25] =	ssyncset.done $0x0  }
0x19b: {  	[sflag:s25] =	ssyncadd.s32 $0xFFFFA000  }
0x19c: {  	p0 =	sne.s32 s7, $0x1;
	_ =	swait.ge [sflag:s28], $0x6000  }
.Ltmp0:
0x19d: {  	[sflag:s28] =	ssyncset.done $0x0;
	(pc) =	sbr.rel @p0 .LBB2_1-.Ltmp0, $4  }
0x19e: {  	[sflag:s28] =	ssyncadd.s32 $0xFFFFA000  }
0x19f: {  	_ =	swait.ge [sflag:s30], $0x6000  }
0x1a0: {  	[sflag:s30] =	ssyncset.done $0x0  }
0x1a1: {  	s7 =	sadd.s32 $0xFFFFFFFF, s7;
	[sflag:s30] =	ssyncadd.s32 $0xFFFFA000  }
0x1a2: {  	_ =	sfence.sel $0x180000  }
0x1a3: {  	[bflag:$0x0] =	sbarrier.arrive $0xFFFF  }
0x1a4: {  	_ =	strace $0x90000047  }
0x1a5: {  	s0 =	stileid.u32;
	[bflag:$0x2] =	sbarrier.arrive $0xFFFF  }
0x1a6: {  	p0 =	sne.s32 s0, $0x0;
	s0 =	rddreg [dreg:$0x3]  }
0x1a7: {  	s0 =	sadd.s32 @!p0 $0x100000, s0  }
0x1a8: {  	[sflag:s0] =	ssyncadd.tile.s32 @!p0 $0x1;
	_ =	shalt  }
.Lfunc_end2:
_tile_overlayer_lowered:
.L_overlay_start_2:
0x1a9: {  	(tag) =	ssettag $0x2  }
0x1aa: {  	s0 =	rddreg [dreg:$0x0];
	s2 =	stileid.u32  }
0x1ab: {  	s1 =	rddreg [dreg:$0x1];
	p0 =	sne.s32 s2, $0x0  }
0x1ac: {  	s3 =	rddreg [dreg:$0x2];
	[bflag:$0x3] =	sbarrier.arrive $0xFFFF;
	s2 =	simm.s32 @!p0 $0x1C0B  }
0x1ad: {  	[timem:s3], [sflag:s2] =	dma.local @!p0 [hbm:s0], s1  }
0x1ae: {  	s0 =	simm.s32 @!p0 $0xB  }
0x1af: {  	_ =	swait.ge @!p0 [sflag:s0], s1  }
0x1b0: {  	s1 =	ssub.s32 @!p0 $0x0, s1;
	[sflag:s0] =	ssyncset.done @!p0 $0x0  }
0x1b1: {  	[sflag:s0] =	ssyncadd.s32 @!p0 s1  }
0x1b2: {  	[bflag:$0x3] =	sbarrier.arrive $0xFFFF  }
0x1b3: {  	_ =	shalt  }

</sc_bundles>
